<compile_context>
chip_gen: v7x
topology: tpu7x:2x2x1
jax: 0.10.2.dev20260603
libtpu: 0.0.44.dev20260713+nightly
codegen_flags: <defaults>
</compile_context>

<pallas_src>
import functools

import jax
import jax.numpy as jnp
from jax import lax
from jax.experimental import pallas as pl
from jax.experimental.pallas import tpu as pltpu
from jax.experimental.pallas import tpu_sc as plsc

N = 10000
E = 320000
DH = 128
NC = 2
NS = 16

EB1 = 80
NBLK1 = E // (NS * EB1)
EB0 = 80
NBLK0 = E // (NC * NS * EB0)

RPS = 624
RTAIL = N - NS * RPS

BR = 2000
GR = N // BR

_INV_N = 1.0 / N



def _store_sums(i, z, s1_ref, s2_ref):
    ps = jnp.sum(z, axis=0, keepdims=True)
    psq = jnp.sum(z * z, axis=0, keepdims=True)

    @pl.when(i == 0)
    def _():
        s1_ref[...] = ps
        s2_ref[...] = psq

    @pl.when(i != 0)
    def _():
        s1_ref[...] = s1_ref[...] + ps
        s2_ref[...] = s2_ref[...] + psq


def _norm_gelu(z, s1_ref, s2_ref, g_ref, be_ref, al_ref):
    al = al_ref[...]
    m = s1_ref[...] * _INV_N
    e2 = s2_ref[...] * _INV_N
    am = al * m
    var = e2 - 2.0 * am * m + am * am
    zn = (z - am) * jax.lax.rsqrt(var + 1e-5) * g_ref[...] + be_ref[...]
    return jax.nn.gelu(zn)


def _sums_shapes(d):
    return (jax.ShapeDtypeStruct((1, d), jnp.float32),
            jax.ShapeDtypeStruct((1, d), jnp.float32))


def _sums_specs(d):
    return (pl.BlockSpec((1, d), lambda i: (0, 0)),
            pl.BlockSpec((1, d), lambda i: (0, 0)))


def _row_spec(d):
    return pl.BlockSpec((BR, d), lambda i: (i, 0))


def _fs(a):
    return pl.BlockSpec(a.shape, lambda i: (0,) * a.ndim)


def _proj_body(x_ref, wp_ref, bp_ref, o_ref):
    h = jnp.dot(x_ref[...], wp_ref[...], preferred_element_type=jnp.float32)
    o_ref[...] = h + bp_ref[...]


def _proj(x, Wp, bp):
    bp2 = bp.reshape(1, -1)
    return pl.pallas_call(
        _proj_body,
        grid=(GR,),
        in_specs=[_row_spec(Wp.shape[0]), _fs(Wp), _fs(bp2)],
        out_specs=_row_spec(Wp.shape[1]),
        out_shape=jax.ShapeDtypeStruct((N, Wp.shape[1]), jnp.float32),
    )(x, Wp, bp2)


def _first0_body(h_ref, s_ref, w_ref, b_ref, o_ref, s1_ref, s2_ref):
    hin = h_ref[...] + (s_ref[0] + s_ref[1])
    z = jnp.dot(hin, w_ref[...], preferred_element_type=jnp.float32)
    z = z + b_ref[...]
    o_ref[...] = z
    _store_sums(pl.program_id(0), z, s1_ref, s2_ref)


def _linear_first0(h0, s, W, b):
    dout = W.shape[1]
    b2 = b.reshape(1, dout)
    return pl.pallas_call(
        _first0_body,
        grid=(GR,),
        in_specs=[_row_spec(DH),
                  pl.BlockSpec((2, BR, DH), lambda i: (0, i, 0)),
                  _fs(W), _fs(b2)],
        out_specs=(_row_spec(dout),) + _sums_specs(dout),
        out_shape=(jax.ShapeDtypeStruct((N, dout), jnp.float32),)
        + _sums_shapes(dout),
    )(h0, s, W, b2)


def _first1_body(s_ref, w_ref, b_ref, o_ref, s1_ref, s2_ref):
    h = jnp.concatenate([s_ref[0], s_ref[1]], axis=1)
    z = jnp.dot(h, w_ref[...], preferred_element_type=jnp.float32)
    z = z + b_ref[...]
    o_ref[...] = z
    _store_sums(pl.program_id(0), z, s1_ref, s2_ref)


def _linear_first1(s, W, b):
    dout = W.shape[1]
    b2 = b.reshape(1, dout)
    return pl.pallas_call(
        _first1_body,
        grid=(GR,),
        in_specs=[pl.BlockSpec((2, BR, DH), lambda i: (0, i, 0)),
                  _fs(W), _fs(b2)],
        out_specs=(_row_spec(dout),) + _sums_specs(dout),
        out_shape=(jax.ShapeDtypeStruct((N, dout), jnp.float32),)
        + _sums_shapes(dout),
    )(s, W, b2)


def _linear_body(s_ref, z1_ref, z2_ref, g_ref, be_ref, al_ref, w_ref, b_ref,
                 o_ref, s1_ref, s2_ref):
    a = _norm_gelu(s_ref[...], z1_ref, z2_ref, g_ref, be_ref, al_ref)
    zn = jnp.dot(a, w_ref[...], preferred_element_type=jnp.float32)
    zn = zn + b_ref[...]
    o_ref[...] = zn
    _store_sums(pl.program_id(0), zn, s1_ref, s2_ref)


def _linear(z, sums, norm_params, W, b):
    g, be, al = norm_params
    din, dout = W.shape
    onerow = pl.BlockSpec((1, din), lambda i: (0, 0))
    b2 = b.reshape(1, dout)
    return pl.pallas_call(
        _linear_body,
        grid=(GR,),
        in_specs=[_row_spec(din), onerow, onerow, onerow, onerow, onerow,
                  _fs(W), _fs(b2)],
        out_specs=(_row_spec(dout),) + _sums_specs(dout),
        out_shape=(jax.ShapeDtypeStruct((N, dout), jnp.float32),)
        + _sums_shapes(dout),
    )(z, sums[0], sums[1], g.reshape(1, din), be.reshape(1, din),
      al.reshape(1, din), W, b2)


def _apply_body(z_ref, z1_ref, z2_ref, g_ref, be_ref, al_ref, *out_refs):
    a = _norm_gelu(z_ref[...], z1_ref, z2_ref, g_ref, be_ref, al_ref)
    if len(out_refs) == 2:
        d = a.shape[1] // 2
        out_refs[0][...] = a[:, :d]
        out_refs[1][...] = a[:, d:]
    else:
        out_refs[0][...] = a


def _apply(z, sums, norm_params, split_out):
    g, be, al = norm_params
    d = z.shape[1]
    if split_out:
        out_specs = (_row_spec(d // 2), _row_spec(d // 2))
        out_shape = (jax.ShapeDtypeStruct((N, d // 2), jnp.float32),
                     jax.ShapeDtypeStruct((N, d // 2), jnp.float32))
    else:
        out_specs = _row_spec(d)
        out_shape = jax.ShapeDtypeStruct((N, d), jnp.float32)
    onerow = pl.BlockSpec((1, d), lambda i: (0, 0))
    return pl.pallas_call(
        _apply_body,
        grid=(GR,),
        in_specs=[_row_spec(d), onerow, onerow, onerow, onerow, onerow],
        out_specs=out_specs,
        out_shape=out_shape,
    )(z, sums[0], sums[1], g.reshape(1, d), be.reshape(1, d),
      al.reshape(1, d))



def _acc_init(table, acc_sh, sid, r0):
    pltpu.sync_copy(table.at[pl.ds(r0, RPS)], acc_sh.at[pl.ds(r0, RPS)])

    @pl.when(sid == NS - 1)
    def _():
        pltpu.sync_copy(table.at[pl.ds(NS * RPS, RTAIL)],
                        acc_sh.at[pl.ds(NS * RPS, RTAIL)])


def _acc_flush(acc_sh, out_hbm, cid, sid, r0):
    pltpu.sync_copy(acc_sh.at[pl.ds(r0, RPS)], out_hbm.at[cid, pl.ds(r0, RPS)])

    @pl.when(sid == NS - 1)
    def _():
        pltpu.sync_copy(acc_sh.at[pl.ds(NS * RPS, RTAIL)],
                        out_hbm.at[cid, pl.ds(NS * RPS, RTAIL)])


def _edge_pipeline(table, ei_hbm, widx, nblk, acc_sh, bufs):
    (src, dst, rows, semi, semg) = bufs

    def idx_fetch(k, b):
        pltpu.async_copy(ei_hbm.at[0, widx, b], src[k], semi[k])
        pltpu.async_copy(ei_hbm.at[1, widx, b], dst[k], semi[k])

    def idx_wait(k):
        pltpu.make_async_copy(ei_hbm.at[0, widx, 0], src[k], semi[k]).wait()
        pltpu.make_async_copy(ei_hbm.at[1, widx, 0], dst[k], semi[k]).wait()

    def gather_start(k, r):
        pltpu.async_copy(table.at[src[k].at[0]], rows[r], semg[r])

    def gather_wait(r):
        pltpu.make_async_copy(table.at[src[0].at[0]], rows[r],
                              semg[r]).wait()

    def scatter(r, k):
        pltpu.sync_copy(rows[r], acc_sh.at[dst[k].at[0]], add=True)

    ngrp = nblk // 4
    tail = nblk - 4 * ngrp

    for k in range(4):
        idx_fetch(k, k)
    idx_wait(0)
    gather_start(0, 0)
    idx_wait(1)
    gather_start(1, 1)

    @pl.loop(0, ngrp)
    def _(g):
        b = 4 * g
        for k in range(4):
            r = k % 2
            gather_wait(r)
            scatter(r, k)
            idx_fetch(k, lax.rem(b + k + 4, nblk))
            idx_wait((k + 2) % 4)
            gather_start((k + 2) % 4, r)

    for k in range(tail):
        gather_wait(k % 2)
        scatter(k % 2, k)

    idx_wait(2)
    idx_wait(3)
    if tail == 0:
        gather_wait(0)
        gather_wait(1)
    elif tail == 1:
        gather_wait(1)


@functools.cache
def _make_segsum0():
    mesh = plsc.VectorSubcoreMesh(core_axis_name="c", subcore_axis_name="s")
    return jax.jit(functools.partial(
        pl.kernel,
        out_type=jax.ShapeDtypeStruct((NC, N, DH), jnp.float32),
        mesh=mesh,
        scratch_types=_sc_scratch(EB0),
    )(_segsum0_body))


def _sc_scratch(eb):
    return ([pltpu.VMEM((1, eb), jnp.int32) for _ in range(8)]
            + [pltpu.VMEM((eb, DH), jnp.float32) for _ in range(2)]
            + [pltpu.VMEM_SHARED((N, DH), jnp.float32)]
            + [pltpu.SemaphoreType.DMA for _ in range(6)])


def _sc_bufs(bufs):
    src = bufs[0:8:2]
    dst = bufs[1:8:2]
    rows = bufs[8:10]
    acc_sh = bufs[10]
    semi = bufs[11:15]
    semg = bufs[15:17]
    return acc_sh, (src, dst, rows, semi, semg)


def _segsum0_body(h_hbm, zeros_hbm, ei_hbm, out_hbm, *bufs):
    acc_sh, pipe_bufs = _sc_bufs(bufs)
    cid = lax.axis_index("c")
    sid = lax.axis_index("s")
    w = cid * NS + sid
    r0 = sid * RPS
    _acc_init(zeros_hbm, acc_sh, sid, r0)
    plsc.subcore_barrier()
    _edge_pipeline(h_hbm, ei_hbm, w, NBLK0, acc_sh, pipe_bufs)
    plsc.subcore_barrier()
    _acc_flush(acc_sh, out_hbm, cid, sid, r0)


@functools.cache
def _make_segsum1():
    mesh = plsc.VectorSubcoreMesh(core_axis_name="c", subcore_axis_name="s")
    return jax.jit(functools.partial(
        pl.kernel,
        out_type=jax.ShapeDtypeStruct((NC, N, DH), jnp.float32),
        mesh=mesh,
        scratch_types=_sc_scratch(EB1),
    )(_segsum1_body))


def _segsum1_body(ha_hbm, hb_hbm, ei_hbm, out_hbm, *bufs):
    acc_sh, pipe_bufs = _sc_bufs(bufs)
    cid = lax.axis_index("c")
    sid = lax.axis_index("s")
    r0 = sid * RPS

    def run(table):
        _acc_init(table, acc_sh, sid, r0)
        plsc.subcore_barrier()
        _edge_pipeline(table, ei_hbm, sid, NBLK1, acc_sh, pipe_bufs)

    @pl.when(cid == 0)
    def _():
        run(ha_hbm)

    @pl.when(cid == 1)
    def _():
        run(hb_hbm)

    plsc.subcore_barrier()
    _acc_flush(acc_sh, out_hbm, cid, sid, r0)



def kernel(x, edge_index, proj, gin_params):
    Wp, bp = proj
    layers0, layers1 = gin_params
    ei = edge_index.astype(jnp.int32)
    ei0 = ei.reshape(2, NC * NS, NBLK0, 1, EB0)
    ei1 = ei.reshape(2, NS, NBLK1, 1, EB1)
    zeros = jnp.zeros((N, DH), jnp.float32)

    h0 = _proj(x, Wp, bp)
    p = _make_segsum0()(h0, zeros, ei0)
    z, *sums = _linear_first0(h0, p, layers0[0][0], layers0[0][1])
    z, *sums = _linear(z, sums, layers0[0][2:], *layers0[1][:2])
    z, *sums = _linear(z, sums, layers0[1][2:], *layers0[2][:2])
    z, *sums = _linear(z, sums, layers0[2][2:], *layers0[3][:2])
    h1a, h1b = _apply(z, sums, layers0[3][2:], split_out=True)

    s1 = _make_segsum1()(h1a, h1b, ei1)
    z, *sums = _linear_first1(s1, layers1[0][0], layers1[0][1])
    z, *sums = _linear(z, sums, layers1[0][2:], *layers1[1][:2])
    z, *sums = _linear(z, sums, layers1[1][2:], *layers1[2][:2])
    z, *sums = _linear(z, sums, layers1[2][2:], *layers1[3][:2])
    return _apply(z, sums, layers1[3][2:], split_out=False)

# --- scband reference (transcript-rebuilt; emitter-appended) ---
"""Pipeline reference for scband-amiya-8169027797460 (READ-ONLY COPY).

The authoritative reference and input builder live on the scoring server;
editing this copy changes nothing except your own understanding.
"""

import jax, jax.numpy as jnp
import numpy as np

N = 10000
E = 320000
NG = 128   # n_gene
NR = 128   # n_rxn
NE = 256   # nfeature_embed
GIN_EPS = 0.0


def _graphnorm(h, gamma, beta, alpha):
    # GraphNorm over a single graph: (h - alpha*mean) / std * gamma + beta
    mean = jnp.mean(h, axis=0, keepdims=True)
    out = h - alpha * mean
    var = jnp.mean(out * out, axis=0, keepdims=True)
    return out / jnp.sqrt(var + 1e-5) * gamma + beta


def _mlp(h, layers):
    # MLP block: Linear -> GraphNorm -> GELU (Dropout is identity at inference;
    # the trailing Dropout of the last block is stripped by layers[:-1])
    for (W, b, g, be, al) in layers:
        h = h @ W + b
        h = _graphnorm(h, g, be, al)
        h = jax.nn.gelu(h)
    return h


def _make_mlp_params(key, dims):
    layers = []
    for i in range(len(dims) - 1):
        key, k1 = jax.random.split(key)
        W = jax.random.normal(k1, (dims[i], dims[i + 1]), jnp.float32) * (1.0 / np.sqrt(dims[i]))
        b = jnp.zeros((dims[i + 1],), jnp.float32)
        g = jnp.ones((dims[i + 1],), jnp.float32)
        be = jnp.zeros((dims[i + 1],), jnp.float32)
        al = jnp.ones((dims[i + 1],), jnp.float32)
        layers.append((W, b, g, be, al))
    return layers, key


def setup_inputs(seed: int = 0):
    key = jax.random.key(seed)
    k0, k1, k2 = jax.random.split(key, 3)
    x = jax.random.normal(k0, (N, NG), jnp.float32)
    edge_index = jax.random.randint(k1, (2, E), 0, N)
    # identity_met_proj: Linear(n_gene -> n_rxn)
    Wp = jax.random.normal(k2, (NG, NR), jnp.float32) * (1.0 / np.sqrt(NG))
    bp = jnp.zeros((NR,), jnp.float32)
    # GIN MLPs: dims [in, 256, 128, 256, nfeature_embed]
    layers0, k2 = _make_mlp_params(jax.random.fold_in(k2, 1), [NR, 256, 128, 256, NE])
    layers1, k2 = _make_mlp_params(jax.random.fold_in(k2, 2), [NE, 256, 128, 256, NE])
    return {"x": x, "edge_index": edge_index, "proj": (Wp, bp), "gin_params": [layers0, layers1]}


def reference(x, edge_index, proj, gin_params):
    Wp, bp = proj
    h = x @ Wp + bp  # project genes -> reactions (identity_met_proj)
    src = edge_index[0]
    dst = edge_index[1]
    for layers in gin_params:
        # GINConv: h' = MLP((1 + eps) * h + sum_{j in N(i)} h_j)
        neigh = jax.ops.segment_sum(h[src], dst, num_segments=N)
        h = _mlp((1.0 + GIN_EPS) * h + neigh, layers)
    return h

if __name__ == "__main__":
    import jax
    _d = setup_inputs()
    print(jax.jit(kernel)(*tuple(_d.values())))

</pallas_src>

<mosaic_0001>
#map = affine_map<(d0, d1) -> (0, 0)>
#map1 = affine_map<(d0, d1) -> (0, 0, 0, 0, 0)>
#map2 = affine_map<(d0, d1) -> (0, 0, 0)>
module attributes {stable_mosaic.version = 14 : i64} {
  func.func @_segsum0_body(%arg0: i32, %arg1: i32, %arg2: memref<10000x128xf32, #tpu.memory_space<hbm>>, %arg3: memref<10000x128xf32, #tpu.memory_space<hbm>>, %arg4: memref<2x32x125x1x80xi32, #tpu.memory_space<hbm>>, %arg5: memref<2x10000x128xf32, #tpu.memory_space<hbm>>, %arg6: memref<1x80xi32, #tpu.memory_space<vmem>>, %arg7: memref<1x80xi32, #tpu.memory_space<vmem>>, %arg8: memref<1x80xi32, #tpu.memory_space<vmem>>, %arg9: memref<1x80xi32, #tpu.memory_space<vmem>>, %arg10: memref<1x80xi32, #tpu.memory_space<vmem>>, %arg11: memref<1x80xi32, #tpu.memory_space<vmem>>, %arg12: memref<1x80xi32, #tpu.memory_space<vmem>>, %arg13: memref<1x80xi32, #tpu.memory_space<vmem>>, %arg14: memref<80x128xf32, #tpu.memory_space<vmem>>, %arg15: memref<80x128xf32, #tpu.memory_space<vmem>>, %arg16: memref<10000x128xf32, #tpu.memory_space<vmem_shared>>, %arg17: memref<!tpu.dma_semaphore, #tpu.memory_space<semaphore_mem>>, %arg18: memref<!tpu.dma_semaphore, #tpu.memory_space<semaphore_mem>>, %arg19: memref<!tpu.dma_semaphore, #tpu.memory_space<semaphore_mem>>, %arg20: memref<!tpu.dma_semaphore, #tpu.memory_space<semaphore_mem>>, %arg21: memref<!tpu.dma_semaphore, #tpu.memory_space<semaphore_mem>>, %arg22: memref<!tpu.dma_semaphore, #tpu.memory_space<semaphore_mem>>) attributes {dimension_semantics = [#tpu.dimension_semantics<core_parallel>, #tpu.dimension_semantics<subcore_parallel>], iteration_bounds = array<i64: 2, 16>, scalar_prefetch = 0 : i64, scratch_operands = 17 : i64, tpu.core_type = #tpu.core_type<sc_vector_subcore>, window_params = [{transform_indices = #map}, {transform_indices = #map}, {transform_indices = #map1}, {transform_indices = #map2}]} {
    %mul3A = arith.constant 16 : i32
    %mul3A_0 = arith.muli %arg0, %mul3A : i32
    %add3A = arith.addi %mul3A_0, %arg1 : i32
    %mul3A_1 = arith.constant 624 : i32
    %mul3A_2 = arith.muli %arg1, %mul3A_1 : i32
    "tpu.region"() ({
      %run_scoped3A_201 = tpu.sem_alloc : memref<!tpu.dma_semaphore, #tpu.memory_space<semaphore_mem>>
      %dma_start3A_202 = arith.constant 0 : i32
      %dma_start3A_203 = tpu.memref_slice %arg16[%mul3A_2, %dma_start3A_202] : memref<10000x128xf32, #tpu.memory_space<vmem_shared>> -> memref<624x128xf32, #tpu.memory_space<vmem_shared>>
      %dma_start3A_204 = arith.constant 0 : i32
      %dma_start3A_205 = tpu.memref_slice %arg3[%mul3A_2, %dma_start3A_204] : memref<10000x128xf32, #tpu.memory_space<hbm>> -> memref<624x128xf32, #tpu.memory_space<hbm>>
      tpu.enqueue_dma source(%dma_start3A_205 : memref<624x128xf32, #tpu.memory_space<hbm>>) target(%dma_start3A_203 : memref<624x128xf32, #tpu.memory_space<vmem_shared>>) target_semaphore(%run_scoped3A_201 : memref<!tpu.dma_semaphore, #tpu.memory_space<semaphore_mem>>)
      %dma_wait3A_206 = arith.constant 0 : i32
      %dma_wait3A_207 = tpu.memref_slice %arg16[%mul3A_2, %dma_wait3A_206] : memref<10000x128xf32, #tpu.memory_space<vmem_shared>> -> memref<624x128xf32, #tpu.memory_space<vmem_shared>>
      %dma_wait3A_208 = arith.constant 0 : i32
      %dma_wait3A_209 = tpu.memref_slice %arg3[%mul3A_2, %dma_wait3A_208] : memref<10000x128xf32, #tpu.memory_space<hbm>> -> memref<624x128xf32, #tpu.memory_space<hbm>>
      tpu.wait_dma2 semaphore(%run_scoped3A_201 : memref<!tpu.dma_semaphore, #tpu.memory_space<semaphore_mem>>) src(%dma_wait3A_209 : memref<624x128xf32, #tpu.memory_space<hbm>>) dst(%dma_wait3A_207 : memref<624x128xf32, #tpu.memory_space<vmem_shared>>)
      tpu.yield
    }) : () -> ()
    %eq3A = arith.constant 15 : i32
    %eq3A_3 = arith.cmpi eq, %arg1, %eq3A : i32
    %convert_element_type3A = arith.extui %eq3A_3 : i1 to i32
    %cond3A = arith.constant 0 : i32
    %cond3A_4 = arith.cmpi ne, %convert_element_type3A, %cond3A : i32
    scf.if %cond3A_4 {
      "tpu.region"() ({
        %run_scoped3A_201 = tpu.sem_alloc : memref<!tpu.dma_semaphore, #tpu.memory_space<semaphore_mem>>
        %dma_start3A_202 = arith.constant 9984 : i32
        %dma_start3A_203 = arith.constant 0 : i32
        %dma_start3A_204 = tpu.memref_slice %arg16[%dma_start3A_202, %dma_start3A_203] : memref<10000x128xf32, #tpu.memory_space<vmem_shared>> -> memref<16x128xf32, #tpu.memory_space<vmem_shared>>
        %dma_start3A_205 = arith.constant 9984 : i32
        %dma_start3A_206 = arith.constant 0 : i32
        %dma_start3A_207 = tpu.memref_slice %arg3[%dma_start3A_205, %dma_start3A_206] : memref<10000x128xf32, #tpu.memory_space<hbm>> -> memref<16x128xf32, #tpu.memory_space<hbm>>
        tpu.enqueue_dma source(%dma_start3A_207 : memref<16x128xf32, #tpu.memory_space<hbm>>) target(%dma_start3A_204 : memref<16x128xf32, #tpu.memory_space<vmem_shared>>) target_semaphore(%run_scoped3A_201 : memref<!tpu.dma_semaphore, #tpu.memory_space<semaphore_mem>>)
        %dma_wait3A_208 = arith.constant 9984 : i32
        %dma_wait3A_209 = arith.constant 0 : i32
        %dma_wait3A_210 = tpu.memref_slice %arg16[%dma_wait3A_208, %dma_wait3A_209] : memref<10000x128xf32, #tpu.memory_space<vmem_shared>> -> memref<16x128xf32, #tpu.memory_space<vmem_shared>>
        %dma_wait3A_211 = arith.constant 9984 : i32
        %dma_wait3A_212 = arith.constant 0 : i32
        %dma_wait3A_213 = tpu.memref_slice %arg3[%dma_wait3A_211, %dma_wait3A_212] : memref<10000x128xf32, #tpu.memory_space<hbm>> -> memref<16x128xf32, #tpu.memory_space<hbm>>
        tpu.wait_dma2 semaphore(%run_scoped3A_201 : memref<!tpu.dma_semaphore, #tpu.memory_space<semaphore_mem>>) src(%dma_wait3A_213 : memref<16x128xf32, #tpu.memory_space<hbm>>) dst(%dma_wait3A_210 : memref<16x128xf32, #tpu.memory_space<vmem_shared>>)
        tpu.yield
      }) : () -> ()
    } else {
    }
    %barrier3A = arith.constant 0 : index
    tpu.barrier barrier_id(%barrier3A)
    %dma_start3A = arith.constant 0 : i32
    %dma_start3A_5 = arith.constant 0 : i32
    %dma_start3A_6 = arith.constant 0 : i32
    %dma_start3A_7 = arith.constant 0 : i32
    %dma_start3A_8 = tpu.memref_slice %arg4[%dma_start3A, %add3A, %dma_start3A_5, %dma_start3A_6, %dma_start3A_7] : memref<2x32x125x1x80xi32, #tpu.memory_space<hbm>> -> memref<1x1x1x1x80xi32, #tpu.memory_space<hbm>>
    %dma_start3A_9 = tpu.memref_squeeze %dma_start3A_8 : memref<1x1x1x1x80xi32, #tpu.memory_space<hbm>> -> memref<1x80xi32, #tpu.memory_space<hbm>>
    %dma_start3A_10 = arith.constant 0 : i32
    %dma_start3A_11 = arith.constant 0 : i32
    %dma_start3A_12 = tpu.memref_slice %arg4[%dma_start3A, %add3A, %dma_start3A_5, %dma_start3A_10, %dma_start3A_11] : memref<2x32x125x1x80xi32, #tpu.memory_space<hbm>> -> memref<1x1x1x1x80xi32, #tpu.memory_space<hbm>>
    %dma_start3A_13 = tpu.memref_squeeze %dma_start3A_12 : memref<1x1x1x1x80xi32, #tpu.memory_space<hbm>> -> memref<1x80xi32, #tpu.memory_space<hbm>>
    tpu.enqueue_dma source(%dma_start3A_13 : memref<1x80xi32, #tpu.memory_space<hbm>>) target(%arg6 : memref<1x80xi32, #tpu.memory_space<vmem>>) target_semaphore(%arg17 : memref<!tpu.dma_semaphore, #tpu.memory_space<semaphore_mem>>)
    %dma_start3A_14 = arith.constant 1 : i32
    %dma_start3A_15 = arith.constant 0 : i32
    %dma_start3A_16 = arith.constant 0 : i32
    %dma_start3A_17 = arith.constant 0 : i32
    %dma_start3A_18 = tpu.memref_slice %arg4[%dma_start3A_14, %add3A, %dma_start3A_15, %dma_start3A_16, %dma_start3A_17] : memref<2x32x125x1x80xi32, #tpu.memory_space<hbm>> -> memref<1x1x1x1x80xi32, #tpu.memory_space<hbm>>
    %dma_start3A_19 = tpu.memref_squeeze %dma_start3A_18 : memref<1x1x1x1x80xi32, #tpu.memory_space<hbm>> -> memref<1x80xi32, #tpu.memory_space<hbm>>
    %dma_start3A_20 = arith.constant 0 : i32
    %dma_start3A_21 = arith.constant 0 : i32
    %dma_start3A_22 = tpu.memref_slice %arg4[%dma_start3A_14, %add3A, %dma_start3A_15, %dma_start3A_20, %dma_start3A_21] : memref<2x32x125x1x80xi32, #tpu.memory_space<hbm>> -> memref<1x1x1x1x80xi32, #tpu.memory_space<hbm>>
    %dma_start3A_23 = tpu.memref_squeeze %dma_start3A_22 : memref<1x1x1x1x80xi32, #tpu.memory_space<hbm>> -> memref<1x80xi32, #tpu.memory_space<hbm>>
    tpu.enqueue_dma source(%dma_start3A_23 : memref<1x80xi32, #tpu.memory_space<hbm>>) target(%arg7 : memref<1x80xi32, #tpu.memory_space<vmem>>) target_semaphore(%arg17 : memref<!tpu.dma_semaphore, #tpu.memory_space<semaphore_mem>>)
    %dma_start3A_24 = arith.constant 0 : i32
    %dma_start3A_25 = arith.constant 1 : i32
    %dma_start3A_26 = arith.constant 0 : i32
    %dma_start3A_27 = arith.constant 0 : i32
    %dma_start3A_28 = tpu.memref_slice %arg4[%dma_start3A_24, %add3A, %dma_start3A_25, %dma_start3A_26, %dma_start3A_27] : memref<2x32x125x1x80xi32, #tpu.memory_space<hbm>> -> memref<1x1x1x1x80xi32, #tpu.memory_space<hbm>>
    %dma_start3A_29 = tpu.memref_squeeze %dma_start3A_28 : memref<1x1x1x1x80xi32, #tpu.memory_space<hbm>> -> memref<1x80xi32, #tpu.memory_space<hbm>>
    %dma_start3A_30 = arith.constant 0 : i32
    %dma_start3A_31 = arith.constant 0 : i32
    %dma_start3A_32 = tpu.memref_slice %arg4[%dma_start3A_24, %add3A, %dma_start3A_25, %dma_start3A_30, %dma_start3A_31] : memref<2x32x125x1x80xi32, #tpu.memory_space<hbm>> -> memref<1x1x1x1x80xi32, #tpu.memory_space<hbm>>
    %dma_start3A_33 = tpu.memref_squeeze %dma_start3A_32 : memref<1x1x1x1x80xi32, #tpu.memory_space<hbm>> -> memref<1x80xi32, #tpu.memory_space<hbm>>
    tpu.enqueue_dma source(%dma_start3A_33 : memref<1x80xi32, #tpu.memory_space<hbm>>) target(%arg8 : memref<1x80xi32, #tpu.memory_space<vmem>>) target_semaphore(%arg18 : memref<!tpu.dma_semaphore, #tpu.memory_space<semaphore_mem>>)
    %dma_start3A_34 = arith.constant 1 : i32
    %dma_start3A_35 = arith.constant 1 : i32
    %dma_start3A_36 = arith.constant 0 : i32
    %dma_start3A_37 = arith.constant 0 : i32
    %dma_start3A_38 = tpu.memref_slice %arg4[%dma_start3A_34, %add3A, %dma_start3A_35, %dma_start3A_36, %dma_start3A_37] : memref<2x32x125x1x80xi32, #tpu.memory_space<hbm>> -> memref<1x1x1x1x80xi32, #tpu.memory_space<hbm>>
    %dma_start3A_39 = tpu.memref_squeeze %dma_start3A_38 : memref<1x1x1x1x80xi32, #tpu.memory_space<hbm>> -> memref<1x80xi32, #tpu.memory_space<hbm>>
    %dma_start3A_40 = arith.constant 0 : i32
    %dma_start3A_41 = arith.constant 0 : i32
    %dma_start3A_42 = tpu.memref_slice %arg4[%dma_start3A_34, %add3A, %dma_start3A_35, %dma_start3A_40, %dma_start3A_41] : memref<2x32x125x1x80xi32, #tpu.memory_space<hbm>> -> memref<1x1x1x1x80xi32, #tpu.memory_space<hbm>>
    %dma_start3A_43 = tpu.memref_squeeze %dma_start3A_42 : memref<1x1x1x1x80xi32, #tpu.memory_space<hbm>> -> memref<1x80xi32, #tpu.memory_space<hbm>>
    tpu.enqueue_dma source(%dma_start3A_43 : memref<1x80xi32, #tpu.memory_space<hbm>>) target(%arg9 : memref<1x80xi32, #tpu.memory_space<vmem>>) target_semaphore(%arg18 : memref<!tpu.dma_semaphore, #tpu.memory_space<semaphore_mem>>)
    %dma_start3A_44 = arith.constant 0 : i32
    %dma_start3A_45 = arith.constant 2 : i32
    %dma_start3A_46 = arith.constant 0 : i32
    %dma_start3A_47 = arith.constant 0 : i32
    %dma_start3A_48 = tpu.memref_slice %arg4[%dma_start3A_44, %add3A, %dma_start3A_45, %dma_start3A_46, %dma_start3A_47] : memref<2x32x125x1x80xi32, #tpu.memory_space<hbm>> -> memref<1x1x1x1x80xi32, #tpu.memory_space<hbm>>
    %dma_start3A_49 = tpu.memref_squeeze %dma_start3A_48 : memref<1x1x1x1x80xi32, #tpu.memory_space<hbm>> -> memref<1x80xi32, #tpu.memory_space<hbm>>
    %dma_start3A_50 = arith.constant 0 : i32
    %dma_start3A_51 = arith.constant 0 : i32
    %dma_start3A_52 = tpu.memref_slice %arg4[%dma_start3A_44, %add3A, %dma_start3A_45, %dma_start3A_50, %dma_start3A_51] : memref<2x32x125x1x80xi32, #tpu.memory_space<hbm>> -> memref<1x1x1x1x80xi32, #tpu.memory_space<hbm>>
    %dma_start3A_53 = tpu.memref_squeeze %dma_start3A_52 : memref<1x1x1x1x80xi32, #tpu.memory_space<hbm>> -> memref<1x80xi32, #tpu.memory_space<hbm>>
    tpu.enqueue_dma source(%dma_start3A_53 : memref<1x80xi32, #tpu.memory_space<hbm>>) target(%arg10 : memref<1x80xi32, #tpu.memory_space<vmem>>) target_semaphore(%arg19 : memref<!tpu.dma_semaphore, #tpu.memory_space<semaphore_mem>>)
    %dma_start3A_54 = arith.constant 1 : i32
    %dma_start3A_55 = arith.constant 2 : i32
    %dma_start3A_56 = arith.constant 0 : i32
    %dma_start3A_57 = arith.constant 0 : i32
    %dma_start3A_58 = tpu.memref_slice %arg4[%dma_start3A_54, %add3A, %dma_start3A_55, %dma_start3A_56, %dma_start3A_57] : memref<2x32x125x1x80xi32, #tpu.memory_space<hbm>> -> memref<1x1x1x1x80xi32, #tpu.memory_space<hbm>>
    %dma_start3A_59 = tpu.memref_squeeze %dma_start3A_58 : memref<1x1x1x1x80xi32, #tpu.memory_space<hbm>> -> memref<1x80xi32, #tpu.memory_space<hbm>>
    %dma_start3A_60 = arith.constant 0 : i32
    %dma_start3A_61 = arith.constant 0 : i32
    %dma_start3A_62 = tpu.memref_slice %arg4[%dma_start3A_54, %add3A, %dma_start3A_55, %dma_start3A_60, %dma_start3A_61] : memref<2x32x125x1x80xi32, #tpu.memory_space<hbm>> -> memref<1x1x1x1x80xi32, #tpu.memory_space<hbm>>
    %dma_start3A_63 = tpu.memref_squeeze %dma_start3A_62 : memref<1x1x1x1x80xi32, #tpu.memory_space<hbm>> -> memref<1x80xi32, #tpu.memory_space<hbm>>
    tpu.enqueue_dma source(%dma_start3A_63 : memref<1x80xi32, #tpu.memory_space<hbm>>) target(%arg11 : memref<1x80xi32, #tpu.memory_space<vmem>>) target_semaphore(%arg19 : memref<!tpu.dma_semaphore, #tpu.memory_space<semaphore_mem>>)
    %dma_start3A_64 = arith.constant 0 : i32
    %dma_start3A_65 = arith.constant 3 : i32
    %dma_start3A_66 = arith.constant 0 : i32
    %dma_start3A_67 = arith.constant 0 : i32
    %dma_start3A_68 = tpu.memref_slice %arg4[%dma_start3A_64, %add3A, %dma_start3A_65, %dma_start3A_66, %dma_start3A_67] : memref<2x32x125x1x80xi32, #tpu.memory_space<hbm>> -> memref<1x1x1x1x80xi32, #tpu.memory_space<hbm>>
    %dma_start3A_69 = tpu.memref_squeeze %dma_start3A_68 : memref<1x1x1x1x80xi32, #tpu.memory_space<hbm>> -> memref<1x80xi32, #tpu.memory_space<hbm>>
    %dma_start3A_70 = arith.constant 0 : i32
    %dma_start3A_71 = arith.constant 0 : i32
    %dma_start3A_72 = tpu.memref_slice %arg4[%dma_start3A_64, %add3A, %dma_start3A_65, %dma_start3A_70, %dma_start3A_71] : memref<2x32x125x1x80xi32, #tpu.memory_space<hbm>> -> memref<1x1x1x1x80xi32, #tpu.memory_space<hbm>>
    %dma_start3A_73 = tpu.memref_squeeze %dma_start3A_72 : memref<1x1x1x1x80xi32, #tpu.memory_space<hbm>> -> memref<1x80xi32, #tpu.memory_space<hbm>>
    tpu.enqueue_dma source(%dma_start3A_73 : memref<1x80xi32, #tpu.memory_space<hbm>>) target(%arg12 : memref<1x80xi32, #tpu.memory_space<vmem>>) target_semaphore(%arg20 : memref<!tpu.dma_semaphore, #tpu.memory_space<semaphore_mem>>)
    %dma_start3A_74 = arith.constant 1 : i32
    %dma_start3A_75 = arith.constant 3 : i32
    %dma_start3A_76 = arith.constant 0 : i32
    %dma_start3A_77 = arith.constant 0 : i32
    %dma_start3A_78 = tpu.memref_slice %arg4[%dma_start3A_74, %add3A, %dma_start3A_75, %dma_start3A_76, %dma_start3A_77] : memref<2x32x125x1x80xi32, #tpu.memory_space<hbm>> -> memref<1x1x1x1x80xi32, #tpu.memory_space<hbm>>
    %dma_start3A_79 = tpu.memref_squeeze %dma_start3A_78 : memref<1x1x1x1x80xi32, #tpu.memory_space<hbm>> -> memref<1x80xi32, #tpu.memory_space<hbm>>
    %dma_start3A_80 = arith.constant 0 : i32
    %dma_start3A_81 = arith.constant 0 : i32
    %dma_start3A_82 = tpu.memref_slice %arg4[%dma_start3A_74, %add3A, %dma_start3A_75, %dma_start3A_80, %dma_start3A_81] : memref<2x32x125x1x80xi32, #tpu.memory_space<hbm>> -> memref<1x1x1x1x80xi32, #tpu.memory_space<hbm>>
    %dma_start3A_83 = tpu.memref_squeeze %dma_start3A_82 : memref<1x1x1x1x80xi32, #tpu.memory_space<hbm>> -> memref<1x80xi32, #tpu.memory_space<hbm>>
    tpu.enqueue_dma source(%dma_start3A_83 : memref<1x80xi32, #tpu.memory_space<hbm>>) target(%arg13 : memref<1x80xi32, #tpu.memory_space<vmem>>) target_semaphore(%arg20 : memref<!tpu.dma_semaphore, #tpu.memory_space<semaphore_mem>>)
    %dma_wait3A = arith.constant 0 : i32
    %dma_wait3A_84 = arith.constant 0 : i32
    %dma_wait3A_85 = arith.constant 0 : i32
    %dma_wait3A_86 = arith.constant 0 : i32
    %dma_wait3A_87 = tpu.memref_slice %arg4[%dma_wait3A, %add3A, %dma_wait3A_84, %dma_wait3A_85, %dma_wait3A_86] : memref<2x32x125x1x80xi32, #tpu.memory_space<hbm>> -> memref<1x1x1x1x80xi32, #tpu.memory_space<hbm>>
    %dma_wait3A_88 = tpu.memref_squeeze %dma_wait3A_87 : memref<1x1x1x1x80xi32, #tpu.memory_space<hbm>> -> memref<1x80xi32, #tpu.memory_space<hbm>>
    %dma_wait3A_89 = arith.constant 0 : i32
    %dma_wait3A_90 = arith.constant 0 : i32
    %dma_wait3A_91 = tpu.memref_slice %arg4[%dma_wait3A, %add3A, %dma_wait3A_84, %dma_wait3A_89, %dma_wait3A_90] : memref<2x32x125x1x80xi32, #tpu.memory_space<hbm>> -> memref<1x1x1x1x80xi32, #tpu.memory_space<hbm>>
    %dma_wait3A_92 = tpu.memref_squeeze %dma_wait3A_91 : memref<1x1x1x1x80xi32, #tpu.memory_space<hbm>> -> memref<1x80xi32, #tpu.memory_space<hbm>>
    tpu.wait_dma2 semaphore(%arg17 : memref<!tpu.dma_semaphore, #tpu.memory_space<semaphore_mem>>) src(%dma_wait3A_92 : memref<1x80xi32, #tpu.memory_space<hbm>>) dst(%arg6 : memref<1x80xi32, #tpu.memory_space<vmem>>)
    %dma_wait3A_93 = arith.constant 1 : i32
    %dma_wait3A_94 = arith.constant 0 : i32
    %dma_wait3A_95 = arith.constant 0 : i32
    %dma_wait3A_96 = arith.constant 0 : i32
    %dma_wait3A_97 = tpu.memref_slice %arg4[%dma_wait3A_93, %add3A, %dma_wait3A_94, %dma_wait3A_95, %dma_wait3A_96] : memref<2x32x125x1x80xi32, #tpu.memory_space<hbm>> -> memref<1x1x1x1x80xi32, #tpu.memory_space<hbm>>
    %dma_wait3A_98 = tpu.memref_squeeze %dma_wait3A_97 : memref<1x1x1x1x80xi32, #tpu.memory_space<hbm>> -> memref<1x80xi32, #tpu.memory_space<hbm>>
    %dma_wait3A_99 = arith.constant 0 : i32
    %dma_wait3A_100 = arith.constant 0 : i32
    %dma_wait3A_101 = tpu.memref_slice %arg4[%dma_wait3A_93, %add3A, %dma_wait3A_94, %dma_wait3A_99, %dma_wait3A_100] : memref<2x32x125x1x80xi32, #tpu.memory_space<hbm>> -> memref<1x1x1x1x80xi32, #tpu.memory_space<hbm>>
    %dma_wait3A_102 = tpu.memref_squeeze %dma_wait3A_101 : memref<1x1x1x1x80xi32, #tpu.memory_space<hbm>> -> memref<1x80xi32, #tpu.memory_space<hbm>>
    tpu.wait_dma2 semaphore(%arg17 : memref<!tpu.dma_semaphore, #tpu.memory_space<semaphore_mem>>) src(%dma_wait3A_102 : memref<1x80xi32, #tpu.memory_space<hbm>>) dst(%arg7 : memref<1x80xi32, #tpu.memory_space<vmem>>)
    %dma_start3A_103 = arith.constant 0 : i32
    %dma_start3A_104 = arith.constant 0 : i32
    %dma_start3A_105 = tpu.memref_slice %arg6[%dma_start3A_103, %dma_start3A_104] : memref<1x80xi32, #tpu.memory_space<vmem>> -> memref<1x80xi32, #tpu.memory_space<vmem>>
    %dma_start3A_106 = tpu.memref_squeeze %dma_start3A_105 : memref<1x80xi32, #tpu.memory_space<vmem>> -> memref<80xi32, #tpu.memory_space<vmem>>
    %dma_start3A_107 = arith.constant 0 : i32
    %dma_start3A_108 = arith.constant 0 : i32
    %dma_start3A_109 = tpu.memref_slice %arg2[%dma_start3A_107, %dma_start3A_108] : memref<10000x128xf32, #tpu.memory_space<hbm>> -> memref<10000x128xf32, #tpu.memory_space<hbm>>
    tpu.enqueue_indirect_dma source(%dma_start3A_109 : memref<10000x128xf32, #tpu.memory_space<hbm>>) target(%arg14 : memref<80x128xf32, #tpu.memory_space<vmem>>) offsets(%dma_start3A_106 : memref<80xi32, #tpu.memory_space<vmem>>) semaphore(%arg21 : memref<!tpu.dma_semaphore, #tpu.memory_space<semaphore_mem>>)
    %dma_wait3A_110 = arith.constant 0 : i32
    %dma_wait3A_111 = arith.constant 0 : i32
    %dma_wait3A_112 = arith.constant 0 : i32
    %dma_wait3A_113 = arith.constant 0 : i32
    %dma_wait3A_114 = tpu.memref_slice %arg4[%dma_wait3A_110, %add3A, %dma_wait3A_111, %dma_wait3A_112, %dma_wait3A_113] : memref<2x32x125x1x80xi32, #tpu.memory_space<hbm>> -> memref<1x1x1x1x80xi32, #tpu.memory_space<hbm>>
    %dma_wait3A_115 = tpu.memref_squeeze %dma_wait3A_114 : memref<1x1x1x1x80xi32, #tpu.memory_space<hbm>> -> memref<1x80xi32, #tpu.memory_space<hbm>>
    %dma_wait3A_116 = arith.constant 0 : i32
    %dma_wait3A_117 = arith.constant 0 : i32
    %dma_wait3A_118 = tpu.memref_slice %arg4[%dma_wait3A_110, %add3A, %dma_wait3A_111, %dma_wait3A_116, %dma_wait3A_117] : memref<2x32x125x1x80xi32, #tpu.memory_space<hbm>> -> memref<1x1x1x1x80xi32, #tpu.memory_space<hbm>>
    %dma_wait3A_119 = tpu.memref_squeeze %dma_wait3A_118 : memref<1x1x1x1x80xi32, #tpu.memory_space<hbm>> -> memref<1x80xi32, #tpu.memory_space<hbm>>
    tpu.wait_dma2 semaphore(%arg18 : memref<!tpu.dma_semaphore, #tpu.memory_space<semaphore_mem>>) src(%dma_wait3A_119 : memref<1x80xi32, #tpu.memory_space<hbm>>) dst(%arg8 : memref<1x80xi32, #tpu.memory_space<vmem>>)
    %dma_wait3A_120 = arith.constant 1 : i32
    %dma_wait3A_121 = arith.constant 0 : i32
    %dma_wait3A_122 = arith.constant 0 : i32
    %dma_wait3A_123 = arith.constant 0 : i32
    %dma_wait3A_124 = tpu.memref_slice %arg4[%dma_wait3A_120, %add3A, %dma_wait3A_121, %dma_wait3A_122, %dma_wait3A_123] : memref<2x32x125x1x80xi32, #tpu.memory_space<hbm>> -> memref<1x1x1x1x80xi32, #tpu.memory_space<hbm>>
    %dma_wait3A_125 = tpu.memref_squeeze %dma_wait3A_124 : memref<1x1x1x1x80xi32, #tpu.memory_space<hbm>> -> memref<1x80xi32, #tpu.memory_space<hbm>>
    %dma_wait3A_126 = arith.constant 0 : i32
    %dma_wait3A_127 = arith.constant 0 : i32
    %dma_wait3A_128 = tpu.memref_slice %arg4[%dma_wait3A_120, %add3A, %dma_wait3A_121, %dma_wait3A_126, %dma_wait3A_127] : memref<2x32x125x1x80xi32, #tpu.memory_space<hbm>> -> memref<1x1x1x1x80xi32, #tpu.memory_space<hbm>>
    %dma_wait3A_129 = tpu.memref_squeeze %dma_wait3A_128 : memref<1x1x1x1x80xi32, #tpu.memory_space<hbm>> -> memref<1x80xi32, #tpu.memory_space<hbm>>
    tpu.wait_dma2 semaphore(%arg18 : memref<!tpu.dma_semaphore, #tpu.memory_space<semaphore_mem>>) src(%dma_wait3A_129 : memref<1x80xi32, #tpu.memory_space<hbm>>) dst(%arg9 : memref<1x80xi32, #tpu.memory_space<vmem>>)
    %dma_start3A_130 = arith.constant 0 : i32
    %dma_start3A_131 = arith.constant 0 : i32
    %dma_start3A_132 = tpu.memref_slice %arg8[%dma_start3A_130, %dma_start3A_131] : memref<1x80xi32, #tpu.memory_space<vmem>> -> memref<1x80xi32, #tpu.memory_space<vmem>>
    %dma_start3A_133 = tpu.memref_squeeze %dma_start3A_132 : memref<1x80xi32, #tpu.memory_space<vmem>> -> memref<80xi32, #tpu.memory_space<vmem>>
    %dma_start3A_134 = arith.constant 0 : i32
    %dma_start3A_135 = arith.constant 0 : i32
    %dma_start3A_136 = tpu.memref_slice %arg2[%dma_start3A_134, %dma_start3A_135] : memref<10000x128xf32, #tpu.memory_space<hbm>> -> memref<10000x128xf32, #tpu.memory_space<hbm>>
    tpu.enqueue_indirect_dma source(%dma_start3A_136 : memref<10000x128xf32, #tpu.memory_space<hbm>>) target(%arg15 : memref<80x128xf32, #tpu.memory_space<vmem>>) offsets(%dma_start3A_133 : memref<80xi32, #tpu.memory_space<vmem>>) semaphore(%arg22 : memref<!tpu.dma_semaphore, #tpu.memory_space<semaphore_mem>>)
    %scan3A = arith.constant 0 : i32
    %scan3A_137 = arith.constant 31 : i32
    %scan3A_138 = arith.addi %scan3A, %scan3A_137 : i32
    %scan3A_139 = arith.constant 1 : i32
    scf.for %scan3A_201 = %scan3A to %scan3A_138 step %scan3A_139  : i32 {
      %mul3A_202 = arith.constant 1 : i32
      %mul3A_203 = arith.muli %scan3A_201, %mul3A_202 : i32
      %add3A_204 = arith.constant 0 : i32
      %add3A_205 = arith.addi %add3A_204, %mul3A_203 : i32
      %mul3A_206 = arith.constant 4 : i32
      %mul3A_207 = arith.muli %mul3A_206, %add3A_205 : i32
      %dma_wait3A_208 = arith.constant 0 : i32
      %dma_wait3A_209 = arith.constant 0 : i32
      %dma_wait3A_210 = tpu.memref_slice %arg6[%dma_wait3A_208, %dma_wait3A_209] : memref<1x80xi32, #tpu.memory_space<vmem>> -> memref<1x80xi32, #tpu.memory_space<vmem>>
      %dma_wait3A_211 = tpu.memref_squeeze %dma_wait3A_210 : memref<1x80xi32, #tpu.memory_space<vmem>> -> memref<80xi32, #tpu.memory_space<vmem>>
      %dma_wait3A_212 = arith.constant 0 : i32
      %dma_wait3A_213 = arith.constant 0 : i32
      %dma_wait3A_214 = tpu.memref_slice %arg2[%dma_wait3A_212, %dma_wait3A_213] : memref<10000x128xf32, #tpu.memory_space<hbm>> -> memref<10000x128xf32, #tpu.memory_space<hbm>>
      tpu.wait_indirect_dma semaphore(%arg21 : memref<!tpu.dma_semaphore, #tpu.memory_space<semaphore_mem>>) src(%dma_wait3A_214 : memref<10000x128xf32, #tpu.memory_space<hbm>>) dst(%arg14 : memref<80x128xf32, #tpu.memory_space<vmem>>)
      %run_scoped3A_215 = arith.constant 0 : i32
      "tpu.region"() ({
        %run_scoped3A_443 = tpu.sem_alloc : memref<!tpu.dma_semaphore, #tpu.memory_space<semaphore_mem>>
        %dma_start3A_444 = arith.constant 0 : i32
        %dma_start3A_445 = tpu.memref_slice %arg7[%run_scoped3A_215, %dma_start3A_444] : memref<1x80xi32, #tpu.memory_space<vmem>> -> memref<1x80xi32, #tpu.memory_space<vmem>>
        %dma_start3A_446 = tpu.memref_squeeze %dma_start3A_445 : memref<1x80xi32, #tpu.memory_space<vmem>> -> memref<80xi32, #tpu.memory_space<vmem>>
        %dma_start3A_447 = arith.constant 0 : i32
        %dma_start3A_448 = arith.constant 0 : i32
        %dma_start3A_449 = tpu.memref_slice %arg16[%dma_start3A_447, %dma_start3A_448] : memref<10000x128xf32, #tpu.memory_space<vmem_shared>> -> memref<10000x128xf32, #tpu.memory_space<vmem_shared>>
        tpu.enqueue_indirect_dma source(%arg14 : memref<80x128xf32, #tpu.memory_space<vmem>>) target(%dma_start3A_449 : memref<10000x128xf32, #tpu.memory_space<vmem_shared>>) offsets(%dma_start3A_446 : memref<80xi32, #tpu.memory_space<vmem>>) semaphore(%run_scoped3A_443 : memref<!tpu.dma_semaphore, #tpu.memory_space<semaphore_mem>>) {add = true}
        %dma_wait3A_450 = arith.constant 0 : i32
        %dma_wait3A_451 = tpu.memref_slice %arg7[%run_scoped3A_215, %dma_wait3A_450] : memref<1x80xi32, #tpu.memory_space<vmem>> -> memref<1x80xi32, #tpu.memory_space<vmem>>
        %dma_wait3A_452 = tpu.memref_squeeze %dma_wait3A_451 : memref<1x80xi32, #tpu.memory_space<vmem>> -> memref<80xi32, #tpu.memory_space<vmem>>
        %dma_wait3A_453 = arith.constant 0 : i32
        %dma_wait3A_454 = arith.constant 0 : i32
        %dma_wait3A_455 = tpu.memref_slice %arg16[%dma_wait3A_453, %dma_wait3A_454] : memref<10000x128xf32, #tpu.memory_space<vmem_shared>> -> memref<10000x128xf32, #tpu.memory_space<vmem_shared>>
        tpu.wait_indirect_dma semaphore(%run_scoped3A_443 : memref<!tpu.dma_semaphore, #tpu.memory_space<semaphore_mem>>) src(%arg14 : memref<80x128xf32, #tpu.memory_space<vmem>>) dst(%dma_wait3A_455 : memref<10000x128xf32, #tpu.memory_space<vmem_shared>>)
        tpu.yield
      }) : () -> ()
      %add3A_216 = arith.constant 0 : i32
      %add3A_217 = arith.addi %mul3A_207, %add3A_216 : i32
      %add3A_218 = arith.constant 4 : i32
      %add3A_219 = arith.addi %add3A_217, %add3A_218 : i32
      %rem3A = arith.constant 125 : i32
      %rem3A_220 = arith.remsi %add3A_219, %rem3A : i32
      %dma_start3A_221 = arith.constant 0 : i32
      %dma_start3A_222 = arith.constant 0 : i32
      %dma_start3A_223 = arith.constant 0 : i32
      %dma_start3A_224 = tpu.memref_slice %arg4[%dma_start3A_221, %add3A, %rem3A_220, %dma_start3A_222, %dma_start3A_223] : memref<2x32x125x1x80xi32, #tpu.memory_space<hbm>> -> memref<1x1x1x1x80xi32, #tpu.memory_space<hbm>>
      %dma_start3A_225 = tpu.memref_squeeze %dma_start3A_224 : memref<1x1x1x1x80xi32, #tpu.memory_space<hbm>> -> memref<1x80xi32, #tpu.memory_space<hbm>>
      %dma_start3A_226 = arith.constant 0 : i32
      %dma_start3A_227 = arith.constant 0 : i32
      %dma_start3A_228 = tpu.memref_slice %arg4[%dma_start3A_221, %add3A, %rem3A_220, %dma_start3A_226, %dma_start3A_227] : memref<2x32x125x1x80xi32, #tpu.memory_space<hbm>> -> memref<1x1x1x1x80xi32, #tpu.memory_space<hbm>>
      %dma_start3A_229 = tpu.memref_squeeze %dma_start3A_228 : memref<1x1x1x1x80xi32, #tpu.memory_space<hbm>> -> memref<1x80xi32, #tpu.memory_space<hbm>>
      tpu.enqueue_dma source(%dma_start3A_229 : memref<1x80xi32, #tpu.memory_space<hbm>>) target(%arg6 : memref<1x80xi32, #tpu.memory_space<vmem>>) target_semaphore(%arg17 : memref<!tpu.dma_semaphore, #tpu.memory_space<semaphore_mem>>)
      %dma_start3A_230 = arith.constant 1 : i32
      %dma_start3A_231 = arith.constant 0 : i32
      %dma_start3A_232 = arith.constant 0 : i32
      %dma_start3A_233 = tpu.memref_slice %arg4[%dma_start3A_230, %add3A, %rem3A_220, %dma_start3A_231, %dma_start3A_232] : memref<2x32x125x1x80xi32, #tpu.memory_space<hbm>> -> memref<1x1x1x1x80xi32, #tpu.memory_space<hbm>>
      %dma_start3A_234 = tpu.memref_squeeze %dma_start3A_233 : memref<1x1x1x1x80xi32, #tpu.memory_space<hbm>> -> memref<1x80xi32, #tpu.memory_space<hbm>>
      %dma_start3A_235 = arith.constant 0 : i32
      %dma_start3A_236 = arith.constant 0 : i32
      %dma_start3A_237 = tpu.memref_slice %arg4[%dma_start3A_230, %add3A, %rem3A_220, %dma_start3A_235, %dma_start3A_236] : memref<2x32x125x1x80xi32, #tpu.memory_space<hbm>> -> memref<1x1x1x1x80xi32, #tpu.memory_space<hbm>>
      %dma_start3A_238 = tpu.memref_squeeze %dma_start3A_237 : memref<1x1x1x1x80xi32, #tpu.memory_space<hbm>> -> memref<1x80xi32, #tpu.memory_space<hbm>>
      tpu.enqueue_dma source(%dma_start3A_238 : memref<1x80xi32, #tpu.memory_space<hbm>>) target(%arg7 : memref<1x80xi32, #tpu.memory_space<vmem>>) target_semaphore(%arg17 : memref<!tpu.dma_semaphore, #tpu.memory_space<semaphore_mem>>)
      %dma_wait3A_239 = arith.constant 0 : i32
      %dma_wait3A_240 = arith.constant 0 : i32
      %dma_wait3A_241 = arith.constant 0 : i32
      %dma_wait3A_242 = arith.constant 0 : i32
      %dma_wait3A_243 = tpu.memref_slice %arg4[%dma_wait3A_239, %add3A, %dma_wait3A_240, %dma_wait3A_241, %dma_wait3A_242] : memref<2x32x125x1x80xi32, #tpu.memory_space<hbm>> -> memref<1x1x1x1x80xi32, #tpu.memory_space<hbm>>
      %dma_wait3A_244 = tpu.memref_squeeze %dma_wait3A_243 : memref<1x1x1x1x80xi32, #tpu.memory_space<hbm>> -> memref<1x80xi32, #tpu.memory_space<hbm>>
      %dma_wait3A_245 = arith.constant 0 : i32
      %dma_wait3A_246 = arith.constant 0 : i32
      %dma_wait3A_247 = tpu.memref_slice %arg4[%dma_wait3A_239, %add3A, %dma_wait3A_240, %dma_wait3A_245, %dma_wait3A_246] : memref<2x32x125x1x80xi32, #tpu.memory_space<hbm>> -> memref<1x1x1x1x80xi32, #tpu.memory_space<hbm>>
      %dma_wait3A_248 = tpu.memref_squeeze %dma_wait3A_247 : memref<1x1x1x1x80xi32, #tpu.memory_space<hbm>> -> memref<1x80xi32, #tpu.memory_space<hbm>>
      tpu.wait_dma2 semaphore(%arg19 : memref<!tpu.dma_semaphore, #tpu.memory_space<semaphore_mem>>) src(%dma_wait3A_248 : memref<1x80xi32, #tpu.memory_space<hbm>>) dst(%arg10 : memref<1x80xi32, #tpu.memory_space<vmem>>)
      %dma_wait3A_249 = arith.constant 1 : i32
      %dma_wait3A_250 = arith.constant 0 : i32
      %dma_wait3A_251 = arith.constant 0 : i32
      %dma_wait3A_252 = arith.constant 0 : i32
      %dma_wait3A_253 = tpu.memref_slice %arg4[%dma_wait3A_249, %add3A, %dma_wait3A_250, %dma_wait3A_251, %dma_wait3A_252] : memref<2x32x125x1x80xi32, #tpu.memory_space<hbm>> -> memref<1x1x1x1x80xi32, #tpu.memory_space<hbm>>
      %dma_wait3A_254 = tpu.memref_squeeze %dma_wait3A_253 : memref<1x1x1x1x80xi32, #tpu.memory_space<hbm>> -> memref<1x80xi32, #tpu.memory_space<hbm>>
      %dma_wait3A_255 = arith.constant 0 : i32
      %dma_wait3A_256 = arith.constant 0 : i32
      %dma_wait3A_257 = tpu.memref_slice %arg4[%dma_wait3A_249, %add3A, %dma_wait3A_250, %dma_wait3A_255, %dma_wait3A_256] : memref<2x32x125x1x80xi32, #tpu.memory_space<hbm>> -> memref<1x1x1x1x80xi32, #tpu.memory_space<hbm>>
      %dma_wait3A_258 = tpu.memref_squeeze %dma_wait3A_257 : memref<1x1x1x1x80xi32, #tpu.memory_space<hbm>> -> memref<1x80xi32, #tpu.memory_space<hbm>>
      tpu.wait_dma2 semaphore(%arg19 : memref<!tpu.dma_semaphore, #tpu.memory_space<semaphore_mem>>) src(%dma_wait3A_258 : memref<1x80xi32, #tpu.memory_space<hbm>>) dst(%arg11 : memref<1x80xi32, #tpu.memory_space<vmem>>)
      %dma_start3A_259 = arith.constant 0 : i32
      %dma_start3A_260 = arith.constant 0 : i32
      %dma_start3A_261 = tpu.memref_slice %arg10[%dma_start3A_259, %dma_start3A_260] : memref<1x80xi32, #tpu.memory_space<vmem>> -> memref<1x80xi32, #tpu.memory_space<vmem>>
      %dma_start3A_262 = tpu.memref_squeeze %dma_start3A_261 : memref<1x80xi32, #tpu.memory_space<vmem>> -> memref<80xi32, #tpu.memory_space<vmem>>
      %dma_start3A_263 = arith.constant 0 : i32
      %dma_start3A_264 = arith.constant 0 : i32
      %dma_start3A_265 = tpu.memref_slice %arg2[%dma_start3A_263, %dma_start3A_264] : memref<10000x128xf32, #tpu.memory_space<hbm>> -> memref<10000x128xf32, #tpu.memory_space<hbm>>
      tpu.enqueue_indirect_dma source(%dma_start3A_265 : memref<10000x128xf32, #tpu.memory_space<hbm>>) target(%arg14 : memref<80x128xf32, #tpu.memory_space<vmem>>) offsets(%dma_start3A_262 : memref<80xi32, #tpu.memory_space<vmem>>) semaphore(%arg21 : memref<!tpu.dma_semaphore, #tpu.memory_space<semaphore_mem>>)
      %dma_wait3A_266 = arith.constant 0 : i32
      %dma_wait3A_267 = arith.constant 0 : i32
      %dma_wait3A_268 = tpu.memref_slice %arg6[%dma_wait3A_266, %dma_wait3A_267] : memref<1x80xi32, #tpu.memory_space<vmem>> -> memref<1x80xi32, #tpu.memory_space<vmem>>
      %dma_wait3A_269 = tpu.memref_squeeze %dma_wait3A_268 : memref<1x80xi32, #tpu.memory_space<vmem>> -> memref<80xi32, #tpu.memory_space<vmem>>
      %dma_wait3A_270 = arith.constant 0 : i32
      %dma_wait3A_271 = arith.constant 0 : i32
      %dma_wait3A_272 = tpu.memref_slice %arg2[%dma_wait3A_270, %dma_wait3A_271] : memref<10000x128xf32, #tpu.memory_space<hbm>> -> memref<10000x128xf32, #tpu.memory_space<hbm>>
      tpu.wait_indirect_dma semaphore(%arg22 : memref<!tpu.dma_semaphore, #tpu.memory_space<semaphore_mem>>) src(%dma_wait3A_272 : memref<10000x128xf32, #tpu.memory_space<hbm>>) dst(%arg15 : memref<80x128xf32, #tpu.memory_space<vmem>>)
      %run_scoped3A_273 = arith.constant 0 : i32
      "tpu.region"() ({
        %run_scoped3A_443 = tpu.sem_alloc : memref<!tpu.dma_semaphore, #tpu.memory_space<semaphore_mem>>
        %dma_start3A_444 = arith.constant 0 : i32
        %dma_start3A_445 = tpu.memref_slice %arg9[%run_scoped3A_273, %dma_start3A_444] : memref<1x80xi32, #tpu.memory_space<vmem>> -> memref<1x80xi32, #tpu.memory_space<vmem>>
        %dma_start3A_446 = tpu.memref_squeeze %dma_start3A_445 : memref<1x80xi32, #tpu.memory_space<vmem>> -> memref<80xi32, #tpu.memory_space<vmem>>
        %dma_start3A_447 = arith.constant 0 : i32
        %dma_start3A_448 = arith.constant 0 : i32
        %dma_start3A_449 = tpu.memref_slice %arg16[%dma_start3A_447, %dma_start3A_448] : memref<10000x128xf32, #tpu.memory_space<vmem_shared>> -> memref<10000x128xf32, #tpu.memory_space<vmem_shared>>
        tpu.enqueue_indirect_dma source(%arg15 : memref<80x128xf32, #tpu.memory_space<vmem>>) target(%dma_start3A_449 : memref<10000x128xf32, #tpu.memory_space<vmem_shared>>) offsets(%dma_start3A_446 : memref<80xi32, #tpu.memory_space<vmem>>) semaphore(%run_scoped3A_443 : memref<!tpu.dma_semaphore, #tpu.memory_space<semaphore_mem>>) {add = true}
        %dma_wait3A_450 = arith.constant 0 : i32
        %dma_wait3A_451 = tpu.memref_slice %arg9[%run_scoped3A_273, %dma_wait3A_450] : memref<1x80xi32, #tpu.memory_space<vmem>> -> memref<1x80xi32, #tpu.memory_space<vmem>>
        %dma_wait3A_452 = tpu.memref_squeeze %dma_wait3A_451 : memref<1x80xi32, #tpu.memory_space<vmem>> -> memref<80xi32, #tpu.memory_space<vmem>>
        %dma_wait3A_453 = arith.constant 0 : i32
        %dma_wait3A_454 = arith.constant 0 : i32
        %dma_wait3A_455 = tpu.memref_slice %arg16[%dma_wait3A_453, %dma_wait3A_454] : memref<10000x128xf32, #tpu.memory_space<vmem_shared>> -> memref<10000x128xf32, #tpu.memory_space<vmem_shared>>
        tpu.wait_indirect_dma semaphore(%run_scoped3A_443 : memref<!tpu.dma_semaphore, #tpu.memory_space<semaphore_mem>>) src(%arg15 : memref<80x128xf32, #tpu.memory_space<vmem>>) dst(%dma_wait3A_455 : memref<10000x128xf32, #tpu.memory_space<vmem_shared>>)
        tpu.yield
      }) : () -> ()
      %add3A_274 = arith.constant 1 : i32
      %add3A_275 = arith.addi %mul3A_207, %add3A_274 : i32
      %add3A_276 = arith.constant 4 : i32
      %add3A_277 = arith.addi %add3A_275, %add3A_276 : i32
      %rem3A_278 = arith.constant 125 : i32
      %rem3A_279 = arith.remsi %add3A_277, %rem3A_278 : i32
      %dma_start3A_280 = arith.constant 0 : i32
      %dma_start3A_281 = arith.constant 0 : i32
      %dma_start3A_282 = arith.constant 0 : i32
      %dma_start3A_283 = tpu.memref_slice %arg4[%dma_start3A_280, %add3A, %rem3A_279, %dma_start3A_281, %dma_start3A_282] : memref<2x32x125x1x80xi32, #tpu.memory_space<hbm>> -> memref<1x1x1x1x80xi32, #tpu.memory_space<hbm>>
      %dma_start3A_284 = tpu.memref_squeeze %dma_start3A_283 : memref<1x1x1x1x80xi32, #tpu.memory_space<hbm>> -> memref<1x80xi32, #tpu.memory_space<hbm>>
      %dma_start3A_285 = arith.constant 0 : i32
      %dma_start3A_286 = arith.constant 0 : i32
      %dma_start3A_287 = tpu.memref_slice %arg4[%dma_start3A_280, %add3A, %rem3A_279, %dma_start3A_285, %dma_start3A_286] : memref<2x32x125x1x80xi32, #tpu.memory_space<hbm>> -> memref<1x1x1x1x80xi32, #tpu.memory_space<hbm>>
      %dma_start3A_288 = tpu.memref_squeeze %dma_start3A_287 : memref<1x1x1x1x80xi32, #tpu.memory_space<hbm>> -> memref<1x80xi32, #tpu.memory_space<hbm>>
      tpu.enqueue_dma source(%dma_start3A_288 : memref<1x80xi32, #tpu.memory_space<hbm>>) target(%arg8 : memref<1x80xi32, #tpu.memory_space<vmem>>) target_semaphore(%arg18 : memref<!tpu.dma_semaphore, #tpu.memory_space<semaphore_mem>>)
      %dma_start3A_289 = arith.constant 1 : i32
      %dma_start3A_290 = arith.constant 0 : i32
      %dma_start3A_291 = arith.constant 0 : i32
      %dma_start3A_292 = tpu.memref_slice %arg4[%dma_start3A_289, %add3A, %rem3A_279, %dma_start3A_290, %dma_start3A_291] : memref<2x32x125x1x80xi32, #tpu.memory_space<hbm>> -> memref<1x1x1x1x80xi32, #tpu.memory_space<hbm>>
      %dma_start3A_293 = tpu.memref_squeeze %dma_start3A_292 : memref<1x1x1x1x80xi32, #tpu.memory_space<hbm>> -> memref<1x80xi32, #tpu.memory_space<hbm>>
      %dma_start3A_294 = arith.constant 0 : i32
      %dma_start3A_295 = arith.constant 0 : i32
      %dma_start3A_296 = tpu.memref_slice %arg4[%dma_start3A_289, %add3A, %rem3A_279, %dma_start3A_294, %dma_start3A_295] : memref<2x32x125x1x80xi32, #tpu.memory_space<hbm>> -> memref<1x1x1x1x80xi32, #tpu.memory_space<hbm>>
      %dma_start3A_297 = tpu.memref_squeeze %dma_start3A_296 : memref<1x1x1x1x80xi32, #tpu.memory_space<hbm>> -> memref<1x80xi32, #tpu.memory_space<hbm>>
      tpu.enqueue_dma source(%dma_start3A_297 : memref<1x80xi32, #tpu.memory_space<hbm>>) target(%arg9 : memref<1x80xi32, #tpu.memory_space<vmem>>) target_semaphore(%arg18 : memref<!tpu.dma_semaphore, #tpu.memory_space<semaphore_mem>>)
      %dma_wait3A_298 = arith.constant 0 : i32
      %dma_wait3A_299 = arith.constant 0 : i32
      %dma_wait3A_300 = arith.constant 0 : i32
      %dma_wait3A_301 = arith.constant 0 : i32
      %dma_wait3A_302 = tpu.memref_slice %arg4[%dma_wait3A_298, %add3A, %dma_wait3A_299, %dma_wait3A_300, %dma_wait3A_301] : memref<2x32x125x1x80xi32, #tpu.memory_space<hbm>> -> memref<1x1x1x1x80xi32, #tpu.memory_space<hbm>>
      %dma_wait3A_303 = tpu.memref_squeeze %dma_wait3A_302 : memref<1x1x1x1x80xi32, #tpu.memory_space<hbm>> -> memref<1x80xi32, #tpu.memory_space<hbm>>
      %dma_wait3A_304 = arith.constant 0 : i32
      %dma_wait3A_305 = arith.constant 0 : i32
      %dma_wait3A_306 = tpu.memref_slice %arg4[%dma_wait3A_298, %add3A, %dma_wait3A_299, %dma_wait3A_304, %dma_wait3A_305] : memref<2x32x125x1x80xi32, #tpu.memory_space<hbm>> -> memref<1x1x1x1x80xi32, #tpu.memory_space<hbm>>
      %dma_wait3A_307 = tpu.memref_squeeze %dma_wait3A_306 : memref<1x1x1x1x80xi32, #tpu.memory_space<hbm>> -> memref<1x80xi32, #tpu.memory_space<hbm>>
      tpu.wait_dma2 semaphore(%arg20 : memref<!tpu.dma_semaphore, #tpu.memory_space<semaphore_mem>>) src(%dma_wait3A_307 : memref<1x80xi32, #tpu.memory_space<hbm>>) dst(%arg12 : memref<1x80xi32, #tpu.memory_space<vmem>>)
      %dma_wait3A_308 = arith.constant 1 : i32
      %dma_wait3A_309 = arith.constant 0 : i32
      %dma_wait3A_310 = arith.constant 0 : i32
      %dma_wait3A_311 = arith.constant 0 : i32
      %dma_wait3A_312 = tpu.memref_slice %arg4[%dma_wait3A_308, %add3A, %dma_wait3A_309, %dma_wait3A_310, %dma_wait3A_311] : memref<2x32x125x1x80xi32, #tpu.memory_space<hbm>> -> memref<1x1x1x1x80xi32, #tpu.memory_space<hbm>>
      %dma_wait3A_313 = tpu.memref_squeeze %dma_wait3A_312 : memref<1x1x1x1x80xi32, #tpu.memory_space<hbm>> -> memref<1x80xi32, #tpu.memory_space<hbm>>
      %dma_wait3A_314 = arith.constant 0 : i32
      %dma_wait3A_315 = arith.constant 0 : i32
      %dma_wait3A_316 = tpu.memref_slice %arg4[%dma_wait3A_308, %add3A, %dma_wait3A_309, %dma_wait3A_314, %dma_wait3A_315] : memref<2x32x125x1x80xi32, #tpu.memory_space<hbm>> -> memref<1x1x1x1x80xi32, #tpu.memory_space<hbm>>
      %dma_wait3A_317 = tpu.memref_squeeze %dma_wait3A_316 : memref<1x1x1x1x80xi32, #tpu.memory_space<hbm>> -> memref<1x80xi32, #tpu.memory_space<hbm>>
      tpu.wait_dma2 semaphore(%arg20 : memref<!tpu.dma_semaphore, #tpu.memory_space<semaphore_mem>>) src(%dma_wait3A_317 : memref<1x80xi32, #tpu.memory_space<hbm>>) dst(%arg13 : memref<1x80xi32, #tpu.memory_space<vmem>>)
      %dma_start3A_318 = arith.constant 0 : i32
      %dma_start3A_319 = arith.constant 0 : i32
      %dma_start3A_320 = tpu.memref_slice %arg12[%dma_start3A_318, %dma_start3A_319] : memref<1x80xi32, #tpu.memory_space<vmem>> -> memref<1x80xi32, #tpu.memory_space<vmem>>
      %dma_start3A_321 = tpu.memref_squeeze %dma_start3A_320 : memref<1x80xi32, #tpu.memory_space<vmem>> -> memref<80xi32, #tpu.memory_space<vmem>>
      %dma_start3A_322 = arith.constant 0 : i32
      %dma_start3A_323 = arith.constant 0 : i32
      %dma_start3A_324 = tpu.memref_slice %arg2[%dma_start3A_322, %dma_start3A_323] : memref<10000x128xf32, #tpu.memory_space<hbm>> -> memref<10000x128xf32, #tpu.memory_space<hbm>>
      tpu.enqueue_indirect_dma source(%dma_start3A_324 : memref<10000x128xf32, #tpu.memory_space<hbm>>) target(%arg15 : memref<80x128xf32, #tpu.memory_space<vmem>>) offsets(%dma_start3A_321 : memref<80xi32, #tpu.memory_space<vmem>>) semaphore(%arg22 : memref<!tpu.dma_semaphore, #tpu.memory_space<semaphore_mem>>)
      %dma_wait3A_325 = arith.constant 0 : i32
      %dma_wait3A_326 = arith.constant 0 : i32
      %dma_wait3A_327 = tpu.memref_slice %arg6[%dma_wait3A_325, %dma_wait3A_326] : memref<1x80xi32, #tpu.memory_space<vmem>> -> memref<1x80xi32, #tpu.memory_space<vmem>>
      %dma_wait3A_328 = tpu.memref_squeeze %dma_wait3A_327 : memref<1x80xi32, #tpu.memory_space<vmem>> -> memref<80xi32, #tpu.memory_space<vmem>>
      %dma_wait3A_329 = arith.constant 0 : i32
      %dma_wait3A_330 = arith.constant 0 : i32
      %dma_wait3A_331 = tpu.memref_slice %arg2[%dma_wait3A_329, %dma_wait3A_330] : memref<10000x128xf32, #tpu.memory_space<hbm>> -> memref<10000x128xf32, #tpu.memory_space<hbm>>
      tpu.wait_indirect_dma semaphore(%arg21 : memref<!tpu.dma_semaphore, #tpu.memory_space<semaphore_mem>>) src(%dma_wait3A_331 : memref<10000x128xf32, #tpu.memory_space<hbm>>) dst(%arg14 : memref<80x128xf32, #tpu.memory_space<vmem>>)
      %run_scoped3A_332 = arith.constant 0 : i32
      "tpu.region"() ({
        %run_scoped3A_443 = tpu.sem_alloc : memref<!tpu.dma_semaphore, #tpu.memory_space<semaphore_mem>>
        %dma_start3A_444 = arith.constant 0 : i32
        %dma_start3A_445 = tpu.memref_slice %arg11[%run_scoped3A_332, %dma_start3A_444] : memref<1x80xi32, #tpu.memory_space<vmem>> -> memref<1x80xi32, #tpu.memory_space<vmem>>
        %dma_start3A_446 = tpu.memref_squeeze %dma_start3A_445 : memref<1x80xi32, #tpu.memory_space<vmem>> -> memref<80xi32, #tpu.memory_space<vmem>>
        %dma_start3A_447 = arith.constant 0 : i32
        %dma_start3A_448 = arith.constant 0 : i32
        %dma_start3A_449 = tpu.memref_slice %arg16[%dma_start3A_447, %dma_start3A_448] : memref<10000x128xf32, #tpu.memory_space<vmem_shared>> -> memref<10000x128xf32, #tpu.memory_space<vmem_shared>>
        tpu.enqueue_indirect_dma source(%arg14 : memref<80x128xf32, #tpu.memory_space<vmem>>) target(%dma_start3A_449 : memref<10000x128xf32, #tpu.memory_space<vmem_shared>>) offsets(%dma_start3A_446 : memref<80xi32, #tpu.memory_space<vmem>>) semaphore(%run_scoped3A_443 : memref<!tpu.dma_semaphore, #tpu.memory_space<semaphore_mem>>) {add = true}
        %dma_wait3A_450 = arith.constant 0 : i32
        %dma_wait3A_451 = tpu.memref_slice %arg11[%run_scoped3A_332, %dma_wait3A_450] : memref<1x80xi32, #tpu.memory_space<vmem>> -> memref<1x80xi32, #tpu.memory_space<vmem>>
        %dma_wait3A_452 = tpu.memref_squeeze %dma_wait3A_451 : memref<1x80xi32, #tpu.memory_space<vmem>> -> memref<80xi32, #tpu.memory_space<vmem>>
        %dma_wait3A_453 = arith.constant 0 : i32
        %dma_wait3A_454 = arith.constant 0 : i32
        %dma_wait3A_455 = tpu.memref_slice %arg16[%dma_wait3A_453, %dma_wait3A_454] : memref<10000x128xf32, #tpu.memory_space<vmem_shared>> -> memref<10000x128xf32, #tpu.memory_space<vmem_shared>>
        tpu.wait_indirect_dma semaphore(%run_scoped3A_443 : memref<!tpu.dma_semaphore, #tpu.memory_space<semaphore_mem>>) src(%arg14 : memref<80x128xf32, #tpu.memory_space<vmem>>) dst(%dma_wait3A_455 : memref<10000x128xf32, #tpu.memory_space<vmem_shared>>)
        tpu.yield
      }) : () -> ()
      %add3A_333 = arith.constant 2 : i32
      %add3A_334 = arith.addi %mul3A_207, %add3A_333 : i32
      %add3A_335 = arith.constant 4 : i32
      %add3A_336 = arith.addi %add3A_334, %add3A_335 : i32
      %rem3A_337 = arith.constant 125 : i32
      %rem3A_338 = arith.remsi %add3A_336, %rem3A_337 : i32
      %dma_start3A_339 = arith.constant 0 : i32
      %dma_start3A_340 = arith.constant 0 : i32
      %dma_start3A_341 = arith.constant 0 : i32
      %dma_start3A_342 = tpu.memref_slice %arg4[%dma_start3A_339, %add3A, %rem3A_338, %dma_start3A_340, %dma_start3A_341] : memref<2x32x125x1x80xi32, #tpu.memory_space<hbm>> -> memref<1x1x1x1x80xi32, #tpu.memory_space<hbm>>
      %dma_start3A_343 = tpu.memref_squeeze %dma_start3A_342 : memref<1x1x1x1x80xi32, #tpu.memory_space<hbm>> -> memref<1x80xi32, #tpu.memory_space<hbm>>
      %dma_start3A_344 = arith.constant 0 : i32
      %dma_start3A_345 = arith.constant 0 : i32
      %dma_start3A_346 = tpu.memref_slice %arg4[%dma_start3A_339, %add3A, %rem3A_338, %dma_start3A_344, %dma_start3A_345] : memref<2x32x125x1x80xi32, #tpu.memory_space<hbm>> -> memref<1x1x1x1x80xi32, #tpu.memory_space<hbm>>
      %dma_start3A_347 = tpu.memref_squeeze %dma_start3A_346 : memref<1x1x1x1x80xi32, #tpu.memory_space<hbm>> -> memref<1x80xi32, #tpu.memory_space<hbm>>
      tpu.enqueue_dma source(%dma_start3A_347 : memref<1x80xi32, #tpu.memory_space<hbm>>) target(%arg10 : memref<1x80xi32, #tpu.memory_space<vmem>>) target_semaphore(%arg19 : memref<!tpu.dma_semaphore, #tpu.memory_space<semaphore_mem>>)
      %dma_start3A_348 = arith.constant 1 : i32
      %dma_start3A_349 = arith.constant 0 : i32
      %dma_start3A_350 = arith.constant 0 : i32
      %dma_start3A_351 = tpu.memref_slice %arg4[%dma_start3A_348, %add3A, %rem3A_338, %dma_start3A_349, %dma_start3A_350] : memref<2x32x125x1x80xi32, #tpu.memory_space<hbm>> -> memref<1x1x1x1x80xi32, #tpu.memory_space<hbm>>
      %dma_start3A_352 = tpu.memref_squeeze %dma_start3A_351 : memref<1x1x1x1x80xi32, #tpu.memory_space<hbm>> -> memref<1x80xi32, #tpu.memory_space<hbm>>
      %dma_start3A_353 = arith.constant 0 : i32
      %dma_start3A_354 = arith.constant 0 : i32
      %dma_start3A_355 = tpu.memref_slice %arg4[%dma_start3A_348, %add3A, %rem3A_338, %dma_start3A_353, %dma_start3A_354] : memref<2x32x125x1x80xi32, #tpu.memory_space<hbm>> -> memref<1x1x1x1x80xi32, #tpu.memory_space<hbm>>
      %dma_start3A_356 = tpu.memref_squeeze %dma_start3A_355 : memref<1x1x1x1x80xi32, #tpu.memory_space<hbm>> -> memref<1x80xi32, #tpu.memory_space<hbm>>
      tpu.enqueue_dma source(%dma_start3A_356 : memref<1x80xi32, #tpu.memory_space<hbm>>) target(%arg11 : memref<1x80xi32, #tpu.memory_space<vmem>>) target_semaphore(%arg19 : memref<!tpu.dma_semaphore, #tpu.memory_space<semaphore_mem>>)
      %dma_wait3A_357 = arith.constant 0 : i32
      %dma_wait3A_358 = arith.constant 0 : i32
      %dma_wait3A_359 = arith.constant 0 : i32
      %dma_wait3A_360 = arith.constant 0 : i32
      %dma_wait3A_361 = tpu.memref_slice %arg4[%dma_wait3A_357, %add3A, %dma_wait3A_358, %dma_wait3A_359, %dma_wait3A_360] : memref<2x32x125x1x80xi32, #tpu.memory_space<hbm>> -> memref<1x1x1x1x80xi32, #tpu.memory_space<hbm>>
      %dma_wait3A_362 = tpu.memref_squeeze %dma_wait3A_361 : memref<1x1x1x1x80xi32, #tpu.memory_space<hbm>> -> memref<1x80xi32, #tpu.memory_space<hbm>>
      %dma_wait3A_363 = arith.constant 0 : i32
      %dma_wait3A_364 = arith.constant 0 : i32
      %dma_wait3A_365 = tpu.memref_slice %arg4[%dma_wait3A_357, %add3A, %dma_wait3A_358, %dma_wait3A_363, %dma_wait3A_364] : memref<2x32x125x1x80xi32, #tpu.memory_space<hbm>> -> memref<1x1x1x1x80xi32, #tpu.memory_space<hbm>>
      %dma_wait3A_366 = tpu.memref_squeeze %dma_wait3A_365 : memref<1x1x1x1x80xi32, #tpu.memory_space<hbm>> -> memref<1x80xi32, #tpu.memory_space<hbm>>
      tpu.wait_dma2 semaphore(%arg17 : memref<!tpu.dma_semaphore, #tpu.memory_space<semaphore_mem>>) src(%dma_wait3A_366 : memref<1x80xi32, #tpu.memory_space<hbm>>) dst(%arg6 : memref<1x80xi32, #tpu.memory_space<vmem>>)
      %dma_wait3A_367 = arith.constant 1 : i32
      %dma_wait3A_368 = arith.constant 0 : i32
      %dma_wait3A_369 = arith.constant 0 : i32
      %dma_wait3A_370 = arith.constant 0 : i32
      %dma_wait3A_371 = tpu.memref_slice %arg4[%dma_wait3A_367, %add3A, %dma_wait3A_368, %dma_wait3A_369, %dma_wait3A_370] : memref<2x32x125x1x80xi32, #tpu.memory_space<hbm>> -> memref<1x1x1x1x80xi32, #tpu.memory_space<hbm>>
      %dma_wait3A_372 = tpu.memref_squeeze %dma_wait3A_371 : memref<1x1x1x1x80xi32, #tpu.memory_space<hbm>> -> memref<1x80xi32, #tpu.memory_space<hbm>>
      %dma_wait3A_373 = arith.constant 0 : i32
      %dma_wait3A_374 = arith.constant 0 : i32
      %dma_wait3A_375 = tpu.memref_slice %arg4[%dma_wait3A_367, %add3A, %dma_wait3A_368, %dma_wait3A_373, %dma_wait3A_374] : memref<2x32x125x1x80xi32, #tpu.memory_space<hbm>> -> memref<1x1x1x1x80xi32, #tpu.memory_space<hbm>>
      %dma_wait3A_376 = tpu.memref_squeeze %dma_wait3A_375 : memref<1x1x1x1x80xi32, #tpu.memory_space<hbm>> -> memref<1x80xi32, #tpu.memory_space<hbm>>
      tpu.wait_dma2 semaphore(%arg17 : memref<!tpu.dma_semaphore, #tpu.memory_space<semaphore_mem>>) src(%dma_wait3A_376 : memref<1x80xi32, #tpu.memory_space<hbm>>) dst(%arg7 : memref<1x80xi32, #tpu.memory_space<vmem>>)
      %dma_start3A_377 = arith.constant 0 : i32
      %dma_start3A_378 = arith.constant 0 : i32
      %dma_start3A_379 = tpu.memref_slice %arg6[%dma_start3A_377, %dma_start3A_378] : memref<1x80xi32, #tpu.memory_space<vmem>> -> memref<1x80xi32, #tpu.memory_space<vmem>>
      %dma_start3A_380 = tpu.memref_squeeze %dma_start3A_379 : memref<1x80xi32, #tpu.memory_space<vmem>> -> memref<80xi32, #tpu.memory_space<vmem>>
      %dma_start3A_381 = arith.constant 0 : i32
      %dma_start3A_382 = arith.constant 0 : i32
      %dma_start3A_383 = tpu.memref_slice %arg2[%dma_start3A_381, %dma_start3A_382] : memref<10000x128xf32, #tpu.memory_space<hbm>> -> memref<10000x128xf32, #tpu.memory_space<hbm>>
      tpu.enqueue_indirect_dma source(%dma_start3A_383 : memref<10000x128xf32, #tpu.memory_space<hbm>>) target(%arg14 : memref<80x128xf32, #tpu.memory_space<vmem>>) offsets(%dma_start3A_380 : memref<80xi32, #tpu.memory_space<vmem>>) semaphore(%arg21 : memref<!tpu.dma_semaphore, #tpu.memory_space<semaphore_mem>>)
      %dma_wait3A_384 = arith.constant 0 : i32
      %dma_wait3A_385 = arith.constant 0 : i32
      %dma_wait3A_386 = tpu.memref_slice %arg6[%dma_wait3A_384, %dma_wait3A_385] : memref<1x80xi32, #tpu.memory_space<vmem>> -> memref<1x80xi32, #tpu.memory_space<vmem>>
      %dma_wait3A_387 = tpu.memref_squeeze %dma_wait3A_386 : memref<1x80xi32, #tpu.memory_space<vmem>> -> memref<80xi32, #tpu.memory_space<vmem>>
      %dma_wait3A_388 = arith.constant 0 : i32
      %dma_wait3A_389 = arith.constant 0 : i32
      %dma_wait3A_390 = tpu.memref_slice %arg2[%dma_wait3A_388, %dma_wait3A_389] : memref<10000x128xf32, #tpu.memory_space<hbm>> -> memref<10000x128xf32, #tpu.memory_space<hbm>>
      tpu.wait_indirect_dma semaphore(%arg22 : memref<!tpu.dma_semaphore, #tpu.memory_space<semaphore_mem>>) src(%dma_wait3A_390 : memref<10000x128xf32, #tpu.memory_space<hbm>>) dst(%arg15 : memref<80x128xf32, #tpu.memory_space<vmem>>)
      %run_scoped3A_391 = arith.constant 0 : i32
      "tpu.region"() ({
        %run_scoped3A_443 = tpu.sem_alloc : memref<!tpu.dma_semaphore, #tpu.memory_space<semaphore_mem>>
        %dma_start3A_444 = arith.constant 0 : i32
        %dma_start3A_445 = tpu.memref_slice %arg13[%run_scoped3A_391, %dma_start3A_444] : memref<1x80xi32, #tpu.memory_space<vmem>> -> memref<1x80xi32, #tpu.memory_space<vmem>>
        %dma_start3A_446 = tpu.memref_squeeze %dma_start3A_445 : memref<1x80xi32, #tpu.memory_space<vmem>> -> memref<80xi32, #tpu.memory_space<vmem>>
        %dma_start3A_447 = arith.constant 0 : i32
        %dma_start3A_448 = arith.constant 0 : i32
        %dma_start3A_449 = tpu.memref_slice %arg16[%dma_start3A_447, %dma_start3A_448] : memref<10000x128xf32, #tpu.memory_space<vmem_shared>> -> memref<10000x128xf32, #tpu.memory_space<vmem_shared>>
        tpu.enqueue_indirect_dma source(%arg15 : memref<80x128xf32, #tpu.memory_space<vmem>>) target(%dma_start3A_449 : memref<10000x128xf32, #tpu.memory_space<vmem_shared>>) offsets(%dma_start3A_446 : memref<80xi32, #tpu.memory_space<vmem>>) semaphore(%run_scoped3A_443 : memref<!tpu.dma_semaphore, #tpu.memory_space<semaphore_mem>>) {add = true}
        %dma_wait3A_450 = arith.constant 0 : i32
        %dma_wait3A_451 = tpu.memref_slice %arg13[%run_scoped3A_391, %dma_wait3A_450] : memref<1x80xi32, #tpu.memory_space<vmem>> -> memref<1x80xi32, #tpu.memory_space<vmem>>
        %dma_wait3A_452 = tpu.memref_squeeze %dma_wait3A_451 : memref<1x80xi32, #tpu.memory_space<vmem>> -> memref<80xi32, #tpu.memory_space<vmem>>
        %dma_wait3A_453 = arith.constant 0 : i32
        %dma_wait3A_454 = arith.constant 0 : i32
        %dma_wait3A_455 = tpu.memref_slice %arg16[%dma_wait3A_453, %dma_wait3A_454] : memref<10000x128xf32, #tpu.memory_space<vmem_shared>> -> memref<10000x128xf32, #tpu.memory_space<vmem_shared>>
        tpu.wait_indirect_dma semaphore(%run_scoped3A_443 : memref<!tpu.dma_semaphore, #tpu.memory_space<semaphore_mem>>) src(%arg15 : memref<80x128xf32, #tpu.memory_space<vmem>>) dst(%dma_wait3A_455 : memref<10000x128xf32, #tpu.memory_space<vmem_shared>>)
        tpu.yield
      }) : () -> ()
      %add3A_392 = arith.constant 3 : i32
      %add3A_393 = arith.addi %mul3A_207, %add3A_392 : i32
      %add3A_394 = arith.constant 4 : i32
      %add3A_395 = arith.addi %add3A_393, %add3A_394 : i32
      %rem3A_396 = arith.constant 125 : i32
      %rem3A_397 = arith.remsi %add3A_395, %rem3A_396 : i32
      %dma_start3A_398 = arith.constant 0 : i32
      %dma_start3A_399 = arith.constant 0 : i32
      %dma_start3A_400 = arith.constant 0 : i32
      %dma_start3A_401 = tpu.memref_slice %arg4[%dma_start3A_398, %add3A, %rem3A_397, %dma_start3A_399, %dma_start3A_400] : memref<2x32x125x1x80xi32, #tpu.memory_space<hbm>> -> memref<1x1x1x1x80xi32, #tpu.memory_space<hbm>>
      %dma_start3A_402 = tpu.memref_squeeze %dma_start3A_401 : memref<1x1x1x1x80xi32, #tpu.memory_space<hbm>> -> memref<1x80xi32, #tpu.memory_space<hbm>>
      %dma_start3A_403 = arith.constant 0 : i32
      %dma_start3A_404 = arith.constant 0 : i32
      %dma_start3A_405 = tpu.memref_slice %arg4[%dma_start3A_398, %add3A, %rem3A_397, %dma_start3A_403, %dma_start3A_404] : memref<2x32x125x1x80xi32, #tpu.memory_space<hbm>> -> memref<1x1x1x1x80xi32, #tpu.memory_space<hbm>>
      %dma_start3A_406 = tpu.memref_squeeze %dma_start3A_405 : memref<1x1x1x1x80xi32, #tpu.memory_space<hbm>> -> memref<1x80xi32, #tpu.memory_space<hbm>>
      tpu.enqueue_dma source(%dma_start3A_406 : memref<1x80xi32, #tpu.memory_space<hbm>>) target(%arg12 : memref<1x80xi32, #tpu.memory_space<vmem>>) target_semaphore(%arg20 : memref<!tpu.dma_semaphore, #tpu.memory_space<semaphore_mem>>)
      %dma_start3A_407 = arith.constant 1 : i32
      %dma_start3A_408 = arith.constant 0 : i32
      %dma_start3A_409 = arith.constant 0 : i32
      %dma_start3A_410 = tpu.memref_slice %arg4[%dma_start3A_407, %add3A, %rem3A_397, %dma_start3A_408, %dma_start3A_409] : memref<2x32x125x1x80xi32, #tpu.memory_space<hbm>> -> memref<1x1x1x1x80xi32, #tpu.memory_space<hbm>>
      %dma_start3A_411 = tpu.memref_squeeze %dma_start3A_410 : memref<1x1x1x1x80xi32, #tpu.memory_space<hbm>> -> memref<1x80xi32, #tpu.memory_space<hbm>>
      %dma_start3A_412 = arith.constant 0 : i32
      %dma_start3A_413 = arith.constant 0 : i32
      %dma_start3A_414 = tpu.memref_slice %arg4[%dma_start3A_407, %add3A, %rem3A_397, %dma_start3A_412, %dma_start3A_413] : memref<2x32x125x1x80xi32, #tpu.memory_space<hbm>> -> memref<1x1x1x1x80xi32, #tpu.memory_space<hbm>>
      %dma_start3A_415 = tpu.memref_squeeze %dma_start3A_414 : memref<1x1x1x1x80xi32, #tpu.memory_space<hbm>> -> memref<1x80xi32, #tpu.memory_space<hbm>>
      tpu.enqueue_dma source(%dma_start3A_415 : memref<1x80xi32, #tpu.memory_space<hbm>>) target(%arg13 : memref<1x80xi32, #tpu.memory_space<vmem>>) target_semaphore(%arg20 : memref<!tpu.dma_semaphore, #tpu.memory_space<semaphore_mem>>)
      %dma_wait3A_416 = arith.constant 0 : i32
      %dma_wait3A_417 = arith.constant 0 : i32
      %dma_wait3A_418 = arith.constant 0 : i32
      %dma_wait3A_419 = arith.constant 0 : i32
      %dma_wait3A_420 = tpu.memref_slice %arg4[%dma_wait3A_416, %add3A, %dma_wait3A_417, %dma_wait3A_418, %dma_wait3A_419] : memref<2x32x125x1x80xi32, #tpu.memory_space<hbm>> -> memref<1x1x1x1x80xi32, #tpu.memory_space<hbm>>
      %dma_wait3A_421 = tpu.memref_squeeze %dma_wait3A_420 : memref<1x1x1x1x80xi32, #tpu.memory_space<hbm>> -> memref<1x80xi32, #tpu.memory_space<hbm>>
      %dma_wait3A_422 = arith.constant 0 : i32
      %dma_wait3A_423 = arith.constant 0 : i32
      %dma_wait3A_424 = tpu.memref_slice %arg4[%dma_wait3A_416, %add3A, %dma_wait3A_417, %dma_wait3A_422, %dma_wait3A_423] : memref<2x32x125x1x80xi32, #tpu.memory_space<hbm>> -> memref<1x1x1x1x80xi32, #tpu.memory_space<hbm>>
      %dma_wait3A_425 = tpu.memref_squeeze %dma_wait3A_424 : memref<1x1x1x1x80xi32, #tpu.memory_space<hbm>> -> memref<1x80xi32, #tpu.memory_space<hbm>>
      tpu.wait_dma2 semaphore(%arg18 : memref<!tpu.dma_semaphore, #tpu.memory_space<semaphore_mem>>) src(%dma_wait3A_425 : memref<1x80xi32, #tpu.memory_space<hbm>>) dst(%arg8 : memref<1x80xi32, #tpu.memory_space<vmem>>)
      %dma_wait3A_426 = arith.constant 1 : i32
      %dma_wait3A_427 = arith.constant 0 : i32
      %dma_wait3A_428 = arith.constant 0 : i32
      %dma_wait3A_429 = arith.constant 0 : i32
      %dma_wait3A_430 = tpu.memref_slice %arg4[%dma_wait3A_426, %add3A, %dma_wait3A_427, %dma_wait3A_428, %dma_wait3A_429] : memref<2x32x125x1x80xi32, #tpu.memory_space<hbm>> -> memref<1x1x1x1x80xi32, #tpu.memory_space<hbm>>
      %dma_wait3A_431 = tpu.memref_squeeze %dma_wait3A_430 : memref<1x1x1x1x80xi32, #tpu.memory_space<hbm>> -> memref<1x80xi32, #tpu.memory_space<hbm>>
      %dma_wait3A_432 = arith.constant 0 : i32
      %dma_wait3A_433 = arith.constant 0 : i32
      %dma_wait3A_434 = tpu.memref_slice %arg4[%dma_wait3A_426, %add3A, %dma_wait3A_427, %dma_wait3A_432, %dma_wait3A_433] : memref<2x32x125x1x80xi32, #tpu.memory_space<hbm>> -> memref<1x1x1x1x80xi32, #tpu.memory_space<hbm>>
      %dma_wait3A_435 = tpu.memref_squeeze %dma_wait3A_434 : memref<1x1x1x1x80xi32, #tpu.memory_space<hbm>> -> memref<1x80xi32, #tpu.memory_space<hbm>>
      tpu.wait_dma2 semaphore(%arg18 : memref<!tpu.dma_semaphore, #tpu.memory_space<semaphore_mem>>) src(%dma_wait3A_435 : memref<1x80xi32, #tpu.memory_space<hbm>>) dst(%arg9 : memref<1x80xi32, #tpu.memory_space<vmem>>)
      %dma_start3A_436 = arith.constant 0 : i32
      %dma_start3A_437 = arith.constant 0 : i32
      %dma_start3A_438 = tpu.memref_slice %arg8[%dma_start3A_436, %dma_start3A_437] : memref<1x80xi32, #tpu.memory_space<vmem>> -> memref<1x80xi32, #tpu.memory_space<vmem>>
      %dma_start3A_439 = tpu.memref_squeeze %dma_start3A_438 : memref<1x80xi32, #tpu.memory_space<vmem>> -> memref<80xi32, #tpu.memory_space<vmem>>
      %dma_start3A_440 = arith.constant 0 : i32
      %dma_start3A_441 = arith.constant 0 : i32
      %dma_start3A_442 = tpu.memref_slice %arg2[%dma_start3A_440, %dma_start3A_441] : memref<10000x128xf32, #tpu.memory_space<hbm>> -> memref<10000x128xf32, #tpu.memory_space<hbm>>
      tpu.enqueue_indirect_dma source(%dma_start3A_442 : memref<10000x128xf32, #tpu.memory_space<hbm>>) target(%arg15 : memref<80x128xf32, #tpu.memory_space<vmem>>) offsets(%dma_start3A_439 : memref<80xi32, #tpu.memory_space<vmem>>) semaphore(%arg22 : memref<!tpu.dma_semaphore, #tpu.memory_space<semaphore_mem>>)
    }
    %scan3A_140 = arith.constant 31 : i32
    %dma_wait3A_141 = arith.constant 0 : i32
    %dma_wait3A_142 = arith.constant 0 : i32
    %dma_wait3A_143 = tpu.memref_slice %arg6[%dma_wait3A_141, %dma_wait3A_142] : memref<1x80xi32, #tpu.memory_space<vmem>> -> memref<1x80xi32, #tpu.memory_space<vmem>>
    %dma_wait3A_144 = tpu.memref_squeeze %dma_wait3A_143 : memref<1x80xi32, #tpu.memory_space<vmem>> -> memref<80xi32, #tpu.memory_space<vmem>>
    %dma_wait3A_145 = arith.constant 0 : i32
    %dma_wait3A_146 = arith.constant 0 : i32
    %dma_wait3A_147 = tpu.memref_slice %arg2[%dma_wait3A_145, %dma_wait3A_146] : memref<10000x128xf32, #tpu.memory_space<hbm>> -> memref<10000x128xf32, #tpu.memory_space<hbm>>
    tpu.wait_indirect_dma semaphore(%arg21 : memref<!tpu.dma_semaphore, #tpu.memory_space<semaphore_mem>>) src(%dma_wait3A_147 : memref<10000x128xf32, #tpu.memory_space<hbm>>) dst(%arg14 : memref<80x128xf32, #tpu.memory_space<vmem>>)
    %run_scoped3A = arith.constant 0 : i32
    "tpu.region"() ({
      %run_scoped3A_201 = tpu.sem_alloc : memref<!tpu.dma_semaphore, #tpu.memory_space<semaphore_mem>>
      %dma_start3A_202 = arith.constant 0 : i32
      %dma_start3A_203 = tpu.memref_slice %arg7[%run_scoped3A, %dma_start3A_202] : memref<1x80xi32, #tpu.memory_space<vmem>> -> memref<1x80xi32, #tpu.memory_space<vmem>>
      %dma_start3A_204 = tpu.memref_squeeze %dma_start3A_203 : memref<1x80xi32, #tpu.memory_space<vmem>> -> memref<80xi32, #tpu.memory_space<vmem>>
      %dma_start3A_205 = arith.constant 0 : i32
      %dma_start3A_206 = arith.constant 0 : i32
      %dma_start3A_207 = tpu.memref_slice %arg16[%dma_start3A_205, %dma_start3A_206] : memref<10000x128xf32, #tpu.memory_space<vmem_shared>> -> memref<10000x128xf32, #tpu.memory_space<vmem_shared>>
      tpu.enqueue_indirect_dma source(%arg14 : memref<80x128xf32, #tpu.memory_space<vmem>>) target(%dma_start3A_207 : memref<10000x128xf32, #tpu.memory_space<vmem_shared>>) offsets(%dma_start3A_204 : memref<80xi32, #tpu.memory_space<vmem>>) semaphore(%run_scoped3A_201 : memref<!tpu.dma_semaphore, #tpu.memory_space<semaphore_mem>>) {add = true}
      %dma_wait3A_208 = arith.constant 0 : i32
      %dma_wait3A_209 = tpu.memref_slice %arg7[%run_scoped3A, %dma_wait3A_208] : memref<1x80xi32, #tpu.memory_space<vmem>> -> memref<1x80xi32, #tpu.memory_space<vmem>>
      %dma_wait3A_210 = tpu.memref_squeeze %dma_wait3A_209 : memref<1x80xi32, #tpu.memory_space<vmem>> -> memref<80xi32, #tpu.memory_space<vmem>>
      %dma_wait3A_211 = arith.constant 0 : i32
      %dma_wait3A_212 = arith.constant 0 : i32
      %dma_wait3A_213 = tpu.memref_slice %arg16[%dma_wait3A_211, %dma_wait3A_212] : memref<10000x128xf32, #tpu.memory_space<vmem_shared>> -> memref<10000x128xf32, #tpu.memory_space<vmem_shared>>
      tpu.wait_indirect_dma semaphore(%run_scoped3A_201 : memref<!tpu.dma_semaphore, #tpu.memory_space<semaphore_mem>>) src(%arg14 : memref<80x128xf32, #tpu.memory_space<vmem>>) dst(%dma_wait3A_213 : memref<10000x128xf32, #tpu.memory_space<vmem_shared>>)
      tpu.yield
    }) : () -> ()
    %dma_wait3A_148 = arith.constant 0 : i32
    %dma_wait3A_149 = arith.constant 0 : i32
    %dma_wait3A_150 = arith.constant 0 : i32
    %dma_wait3A_151 = arith.constant 0 : i32
    %dma_wait3A_152 = tpu.memref_slice %arg4[%dma_wait3A_148, %add3A, %dma_wait3A_149, %dma_wait3A_150, %dma_wait3A_151] : memref<2x32x125x1x80xi32, #tpu.memory_space<hbm>> -> memref<1x1x1x1x80xi32, #tpu.memory_space<hbm>>
    %dma_wait3A_153 = tpu.memref_squeeze %dma_wait3A_152 : memref<1x1x1x1x80xi32, #tpu.memory_space<hbm>> -> memref<1x80xi32, #tpu.memory_space<hbm>>
    %dma_wait3A_154 = arith.constant 0 : i32
    %dma_wait3A_155 = arith.constant 0 : i32
    %dma_wait3A_156 = tpu.memref_slice %arg4[%dma_wait3A_148, %add3A, %dma_wait3A_149, %dma_wait3A_154, %dma_wait3A_155] : memref<2x32x125x1x80xi32, #tpu.memory_space<hbm>> -> memref<1x1x1x1x80xi32, #tpu.memory_space<hbm>>
    %dma_wait3A_157 = tpu.memref_squeeze %dma_wait3A_156 : memref<1x1x1x1x80xi32, #tpu.memory_space<hbm>> -> memref<1x80xi32, #tpu.memory_space<hbm>>
    tpu.wait_dma2 semaphore(%arg19 : memref<!tpu.dma_semaphore, #tpu.memory_space<semaphore_mem>>) src(%dma_wait3A_157 : memref<1x80xi32, #tpu.memory_space<hbm>>) dst(%arg10 : memref<1x80xi32, #tpu.memory_space<vmem>>)
    %dma_wait3A_158 = arith.constant 1 : i32
    %dma_wait3A_159 = arith.constant 0 : i32
    %dma_wait3A_160 = arith.constant 0 : i32
    %dma_wait3A_161 = arith.constant 0 : i32
    %dma_wait3A_162 = tpu.memref_slice %arg4[%dma_wait3A_158, %add3A, %dma_wait3A_159, %dma_wait3A_160, %dma_wait3A_161] : memref<2x32x125x1x80xi32, #tpu.memory_space<hbm>> -> memref<1x1x1x1x80xi32, #tpu.memory_space<hbm>>
    %dma_wait3A_163 = tpu.memref_squeeze %dma_wait3A_162 : memref<1x1x1x1x80xi32, #tpu.memory_space<hbm>> -> memref<1x80xi32, #tpu.memory_space<hbm>>
    %dma_wait3A_164 = arith.constant 0 : i32
    %dma_wait3A_165 = arith.constant 0 : i32
    %dma_wait3A_166 = tpu.memref_slice %arg4[%dma_wait3A_158, %add3A, %dma_wait3A_159, %dma_wait3A_164, %dma_wait3A_165] : memref<2x32x125x1x80xi32, #tpu.memory_space<hbm>> -> memref<1x1x1x1x80xi32, #tpu.memory_space<hbm>>
    %dma_wait3A_167 = tpu.memref_squeeze %dma_wait3A_166 : memref<1x1x1x1x80xi32, #tpu.memory_space<hbm>> -> memref<1x80xi32, #tpu.memory_space<hbm>>
    tpu.wait_dma2 semaphore(%arg19 : memref<!tpu.dma_semaphore, #tpu.memory_space<semaphore_mem>>) src(%dma_wait3A_167 : memref<1x80xi32, #tpu.memory_space<hbm>>) dst(%arg11 : memref<1x80xi32, #tpu.memory_space<vmem>>)
    %dma_wait3A_168 = arith.constant 0 : i32
    %dma_wait3A_169 = arith.constant 0 : i32
    %dma_wait3A_170 = arith.constant 0 : i32
    %dma_wait3A_171 = arith.constant 0 : i32
    %dma_wait3A_172 = tpu.memref_slice %arg4[%dma_wait3A_168, %add3A, %dma_wait3A_169, %dma_wait3A_170, %dma_wait3A_171] : memref<2x32x125x1x80xi32, #tpu.memory_space<hbm>> -> memref<1x1x1x1x80xi32, #tpu.memory_space<hbm>>
    %dma_wait3A_173 = tpu.memref_squeeze %dma_wait3A_172 : memref<1x1x1x1x80xi32, #tpu.memory_space<hbm>> -> memref<1x80xi32, #tpu.memory_space<hbm>>
    %dma_wait3A_174 = arith.constant 0 : i32
    %dma_wait3A_175 = arith.constant 0 : i32
    %dma_wait3A_176 = tpu.memref_slice %arg4[%dma_wait3A_168, %add3A, %dma_wait3A_169, %dma_wait3A_174, %dma_wait3A_175] : memref<2x32x125x1x80xi32, #tpu.memory_space<hbm>> -> memref<1x1x1x1x80xi32, #tpu.memory_space<hbm>>
    %dma_wait3A_177 = tpu.memref_squeeze %dma_wait3A_176 : memref<1x1x1x1x80xi32, #tpu.memory_space<hbm>> -> memref<1x80xi32, #tpu.memory_space<hbm>>
    tpu.wait_dma2 semaphore(%arg20 : memref<!tpu.dma_semaphore, #tpu.memory_space<semaphore_mem>>) src(%dma_wait3A_177 : memref<1x80xi32, #tpu.memory_space<hbm>>) dst(%arg12 : memref<1x80xi32, #tpu.memory_space<vmem>>)
    %dma_wait3A_178 = arith.constant 1 : i32
    %dma_wait3A_179 = arith.constant 0 : i32
    %dma_wait3A_180 = arith.constant 0 : i32
    %dma_wait3A_181 = arith.constant 0 : i32
    %dma_wait3A_182 = tpu.memref_slice %arg4[%dma_wait3A_178, %add3A, %dma_wait3A_179, %dma_wait3A_180, %dma_wait3A_181] : memref<2x32x125x1x80xi32, #tpu.memory_space<hbm>> -> memref<1x1x1x1x80xi32, #tpu.memory_space<hbm>>
    %dma_wait3A_183 = tpu.memref_squeeze %dma_wait3A_182 : memref<1x1x1x1x80xi32, #tpu.memory_space<hbm>> -> memref<1x80xi32, #tpu.memory_space<hbm>>
    %dma_wait3A_184 = arith.constant 0 : i32
    %dma_wait3A_185 = arith.constant 0 : i32
    %dma_wait3A_186 = tpu.memref_slice %arg4[%dma_wait3A_178, %add3A, %dma_wait3A_179, %dma_wait3A_184, %dma_wait3A_185] : memref<2x32x125x1x80xi32, #tpu.memory_space<hbm>> -> memref<1x1x1x1x80xi32, #tpu.memory_space<hbm>>
    %dma_wait3A_187 = tpu.memref_squeeze %dma_wait3A_186 : memref<1x1x1x1x80xi32, #tpu.memory_space<hbm>> -> memref<1x80xi32, #tpu.memory_space<hbm>>
    tpu.wait_dma2 semaphore(%arg20 : memref<!tpu.dma_semaphore, #tpu.memory_space<semaphore_mem>>) src(%dma_wait3A_187 : memref<1x80xi32, #tpu.memory_space<hbm>>) dst(%arg13 : memref<1x80xi32, #tpu.memory_space<vmem>>)
    %dma_wait3A_188 = arith.constant 0 : i32
    %dma_wait3A_189 = arith.constant 0 : i32
    %dma_wait3A_190 = tpu.memref_slice %arg6[%dma_wait3A_188, %dma_wait3A_189] : memref<1x80xi32, #tpu.memory_space<vmem>> -> memref<1x80xi32, #tpu.memory_space<vmem>>
    %dma_wait3A_191 = tpu.memref_squeeze %dma_wait3A_190 : memref<1x80xi32, #tpu.memory_space<vmem>> -> memref<80xi32, #tpu.memory_space<vmem>>
    %dma_wait3A_192 = arith.constant 0 : i32
    %dma_wait3A_193 = arith.constant 0 : i32
    %dma_wait3A_194 = tpu.memref_slice %arg2[%dma_wait3A_192, %dma_wait3A_193] : memref<10000x128xf32, #tpu.memory_space<hbm>> -> memref<10000x128xf32, #tpu.memory_space<hbm>>
    tpu.wait_indirect_dma semaphore(%arg22 : memref<!tpu.dma_semaphore, #tpu.memory_space<semaphore_mem>>) src(%dma_wait3A_194 : memref<10000x128xf32, #tpu.memory_space<hbm>>) dst(%arg15 : memref<80x128xf32, #tpu.memory_space<vmem>>)
    %barrier3A_195 = arith.constant 0 : index
    tpu.barrier barrier_id(%barrier3A_195)
    "tpu.region"() ({
      %run_scoped3A_201 = tpu.sem_alloc : memref<!tpu.dma_semaphore, #tpu.memory_space<semaphore_mem>>
      %dma_start3A_202 = arith.constant 0 : i32
      %dma_start3A_203 = tpu.memref_slice %arg5[%arg0, %mul3A_2, %dma_start3A_202] : memref<2x10000x128xf32, #tpu.memory_space<hbm>> -> memref<1x624x128xf32, #tpu.memory_space<hbm>>
      %dma_start3A_204 = tpu.memref_squeeze %dma_start3A_203 : memref<1x624x128xf32, #tpu.memory_space<hbm>> -> memref<624x128xf32, #tpu.memory_space<hbm>>
      %dma_start3A_205 = arith.constant 0 : i32
      %dma_start3A_206 = tpu.memref_slice %arg16[%mul3A_2, %dma_start3A_205] : memref<10000x128xf32, #tpu.memory_space<vmem_shared>> -> memref<624x128xf32, #tpu.memory_space<vmem_shared>>
      tpu.enqueue_dma source(%dma_start3A_206 : memref<624x128xf32, #tpu.memory_space<vmem_shared>>) target(%dma_start3A_204 : memref<624x128xf32, #tpu.memory_space<hbm>>) target_semaphore(%run_scoped3A_201 : memref<!tpu.dma_semaphore, #tpu.memory_space<semaphore_mem>>)
      %dma_wait3A_207 = arith.constant 0 : i32
      %dma_wait3A_208 = tpu.memref_slice %arg5[%arg0, %mul3A_2, %dma_wait3A_207] : memref<2x10000x128xf32, #tpu.memory_space<hbm>> -> memref<1x624x128xf32, #tpu.memory_space<hbm>>
      %dma_wait3A_209 = tpu.memref_squeeze %dma_wait3A_208 : memref<1x624x128xf32, #tpu.memory_space<hbm>> -> memref<624x128xf32, #tpu.memory_space<hbm>>
      %dma_wait3A_210 = arith.constant 0 : i32
      %dma_wait3A_211 = tpu.memref_slice %arg16[%mul3A_2, %dma_wait3A_210] : memref<10000x128xf32, #tpu.memory_space<vmem_shared>> -> memref<624x128xf32, #tpu.memory_space<vmem_shared>>
      tpu.wait_dma2 semaphore(%run_scoped3A_201 : memref<!tpu.dma_semaphore, #tpu.memory_space<semaphore_mem>>) src(%dma_wait3A_211 : memref<624x128xf32, #tpu.memory_space<vmem_shared>>) dst(%dma_wait3A_209 : memref<624x128xf32, #tpu.memory_space<hbm>>)
      tpu.yield
    }) : () -> ()
    %eq3A_196 = arith.constant 15 : i32
    %eq3A_197 = arith.cmpi eq, %arg1, %eq3A_196 : i32
    %convert_element_type3A_198 = arith.extui %eq3A_197 : i1 to i32
    %cond3A_199 = arith.constant 0 : i32
    %cond3A_200 = arith.cmpi ne, %convert_element_type3A_198, %cond3A_199 : i32
    scf.if %cond3A_200 {
      "tpu.region"() ({
        %run_scoped3A_201 = tpu.sem_alloc : memref<!tpu.dma_semaphore, #tpu.memory_space<semaphore_mem>>
        %dma_start3A_202 = arith.constant 9984 : i32
        %dma_start3A_203 = arith.constant 0 : i32
        %dma_start3A_204 = tpu.memref_slice %arg5[%arg0, %dma_start3A_202, %dma_start3A_203] : memref<2x10000x128xf32, #tpu.memory_space<hbm>> -> memref<1x16x128xf32, #tpu.memory_space<hbm>>
        %dma_start3A_205 = tpu.memref_squeeze %dma_start3A_204 : memref<1x16x128xf32, #tpu.memory_space<hbm>> -> memref<16x128xf32, #tpu.memory_space<hbm>>
        %dma_start3A_206 = arith.constant 9984 : i32
        %dma_start3A_207 = arith.constant 0 : i32
        %dma_start3A_208 = tpu.memref_slice %arg16[%dma_start3A_206, %dma_start3A_207] : memref<10000x128xf32, #tpu.memory_space<vmem_shared>> -> memref<16x128xf32, #tpu.memory_space<vmem_shared>>
        tpu.enqueue_dma source(%dma_start3A_208 : memref<16x128xf32, #tpu.memory_space<vmem_shared>>) target(%dma_start3A_205 : memref<16x128xf32, #tpu.memory_space<hbm>>) target_semaphore(%run_scoped3A_201 : memref<!tpu.dma_semaphore, #tpu.memory_space<semaphore_mem>>)
        %dma_wait3A_209 = arith.constant 9984 : i32
        %dma_wait3A_210 = arith.constant 0 : i32
        %dma_wait3A_211 = tpu.memref_slice %arg5[%arg0, %dma_wait3A_209, %dma_wait3A_210] : memref<2x10000x128xf32, #tpu.memory_space<hbm>> -> memref<1x16x128xf32, #tpu.memory_space<hbm>>
        %dma_wait3A_212 = tpu.memref_squeeze %dma_wait3A_211 : memref<1x16x128xf32, #tpu.memory_space<hbm>> -> memref<16x128xf32, #tpu.memory_space<hbm>>
        %dma_wait3A_213 = arith.constant 9984 : i32
        %dma_wait3A_214 = arith.constant 0 : i32
        %dma_wait3A_215 = tpu.memref_slice %arg16[%dma_wait3A_213, %dma_wait3A_214] : memref<10000x128xf32, #tpu.memory_space<vmem_shared>> -> memref<16x128xf32, #tpu.memory_space<vmem_shared>>
        tpu.wait_dma2 semaphore(%run_scoped3A_201 : memref<!tpu.dma_semaphore, #tpu.memory_space<semaphore_mem>>) src(%dma_wait3A_215 : memref<16x128xf32, #tpu.memory_space<vmem_shared>>) dst(%dma_wait3A_212 : memref<16x128xf32, #tpu.memory_space<hbm>>)
        tpu.yield
      }) : () -> ()
    } else {
    }
    return
  }
}

</mosaic_0001>

<sc_bundles>
// kernel: wrapper.3.cloned.1.call-start
scs
__scs_entry_jumppad:
0x0: {  	(pc) =	sbr.rel $0x88, $3  }
0x1: {  	(tag) =	ssettag $0x0;
	lr =	simm.s32 $0x1  }
0x2: {  	[smem:$0x3F9E] =	sst lr;
	_ =	strace $0xD0000000  }
0x3: {  	_ = 	snop  }
0x4: {  	_ = 	snop  }
0x5: {  	_ = 	snop  }
0x6: {  	_ = 	snop  }
0x7: {  	_ = 	snop  }
__scs_overlays_trampoline_lowered:
0x8: {  	[smem:$0x3FAD] =	sst s0  }
0x9: {  	[smem:$0x3FAE] =	sst s1  }
0xa: {  	[smem:$0x3FAF] =	sst s2  }
0xb: {  	[smem:$0x3FB0] =	sst s3  }
0xc: {  	[smem:$0x3FB1] =	sst s4  }
0xd: {  	[smem:$0x3FB2] =	sst s5  }
0xe: {  	[smem:$0x3FB3] =	sst s6  }
0xf: {  	[smem:$0x3FB4] =	sst s7  }
0x10: {  	[smem:$0x3FB5] =	sst s8  }
0x11: {  	[smem:$0x3FB6] =	sst s9;
	s0 =	simm.s32 @!p0 $0x0  }
0x12: {  	s1 =	sld [smem:$0x3F9C];
	s0 =	simm.s32 @p0 $0x1  }
0x13: {  	[smem:$0x3FB7] =	sst s0;
	s0 =	simm.s32 @!p1 $0x0  }
0x14: {  	s2 =	sld [smem:$0x3F9B];
	s0 =	simm.s32 @p1 $0x1  }
0x15: {  	[smem:$0x3FB8] =	sst s0;
	s0 =	simm.s32 @!p2 $0x0  }
0x16: {  	s3 =	sld [smem:$0x3FDB];
	s0 =	simm.s32 @p2 $0x1  }
0x17: {  	s4 =	simm.s32 $0x1BF5;
	[smem:$0x3FBA] =	sst s0  }
0x18: {  	s0 =	sld [smem:$0x3F9D];
	_ =	swait.ge [sflag:s4], $0x0  }
0x19: {  	s7 =	sld [smem:$0x3F9E]  }
0x1a: {  	s8 =	sadd.s32 $0xFFFFE003, lr  }
0x1b: {  	s9 =	sadd.s32 $0xFFFFFEF7, lr;
	s5 =	simm.s32 $0xFFFFFFFF;
	p2 =	slt.u32 s8, $0xFFFFF086  }
0x1c: {  	p1 =	slt.u32 s9, $0xF7A;
	s5 =	simm.s32 @!p2 $0x0  }
0x1d: {  	s5 =	simm.s32 @p1 $0x1;
	p0 =	seq.s32 s7, s2  }
0x1e: {  	s7 =	smul.u32 @!p0 $0xF7A, s2;
	p2 =	seq.s32 @!p0 s5, $0x0  }
0x1f: {  	s9 =	smul.u32 $0xF7A, s1;
	s8 =	simm.s32 @!p0 $0x1BF5;
	p2 =	por !p2, p0  }
0x20: {  	[sflag:s8] =	ssyncset.s32 @!p0 $0xFFFFF086;
	s6 =	sadd.s32 @!p0 s3, s7;
	s7 =	simm.s32 @!p0 $0x108  }
0x21: {  	s3 =	sadd.s32 s3, s9;
	s6 =	sadd.s32 @!p0 $0x88, s6;
	s7 =	simm.s32 @p2 $0x1082  }
0x22: {  	[simem:s7], [sflag:s8] =	dma.local @!p0 [hbm:s6], $0xF7A  }
0x23: {  	s9 =	sor.u32 $0xD0000000, s2;
	s6 =	simm.s32 $0x108;
	_ =	swait.ge @!p0 [sflag:s8], $0x0  }
0x24: {  	s3 =	sadd.s32 $0x88, s3;
	s6 =	simm.s32 @!p1 $0x1082;
	[sflag:s4] =	ssyncset.s32 $0xFFFFF086  }
0x25: {  	[simem:s6], [sflag:s4] =	dma.local [hbm:s3], $0xF7A  }
0x26: {  	[smem:$0x3F9E] =	sst s1;
	(tag) =	ssettag s2;
	_ =	strace s9  }
0x27: {  	s1 =	sld [smem:$0x3FAE]  }
0x28: {  	s2 =	sld [smem:$0x3FAF]  }
0x29: {  	s4 =	sld [smem:$0x3FB1]  }
0x2a: {  	p0 =	seq.s32 s5, $0x0;
	s5 =	sld [smem:$0x3FB2]  }
0x2b: {  	s6 =	sld [smem:$0x3FB3]  }
0x2c: {  	s7 =	sld [smem:$0x3FB4]  }
0x2d: {  	s3 =	simm.s32 $0x108;
	s8 =	sld [smem:$0x3FB5]  }
0x2e: {  	s3 =	simm.s32 @!p0 $0x1082;
	s9 =	sld [smem:$0x3FB6]  }
0x2f: {  	lr =	sadd.s32 s0, s3;
	s0 =	sld [smem:$0x3FAD]  }
0x30: {  	s3 =	sld [smem:$0x3FB0]  }
0x31: {  	[smem:$0x3FB9] =	sst s10  }
0x32: {  	s10 =	sld [smem:$0x3FB7];
	_ =	sdelay $0x3  }
0x33: {  	p0 =	seq.s32 s10, $0x1;
	s10 =	sld [smem:$0x3FB9];
	_ =	sdelay $0x3  }
0x34: {  	[smem:$0x3FB9] =	sst s10  }
0x35: {  	s10 =	sld [smem:$0x3FB8];
	_ =	sdelay $0x3  }
0x36: {  	p1 =	seq.s32 s10, $0x1;
	s10 =	sld [smem:$0x3FB9];
	_ =	sdelay $0x3  }
0x37: {  	[smem:$0x3FB9] =	sst s10  }
0x38: {  	s10 =	sld [smem:$0x3FBA]  }
0x39: {  	_ = 	snop;
	(pc) =	sbr.ind lr, $3  }
0x3a: {  	_ = 	snop  }
0x3b: {  	_ = 	snop  }
0x3c: {  	p2 =	seq.s32 s10, $0x1;
	s10 =	sld [smem:$0x3FB9]  }
0x3d: {  	_ =	shalt  }
0x3e: {  	_ =	shalt  }
0x3f: {  	_ =	shalt  }
0x40: {  	_ =	shalt  }
0x41: {  	_ =	shalt  }
0x42: {  	_ =	shalt  }
0x43: {  	_ =	shalt  }
0x44: {  	_ =	shalt  }
0x45: {  	_ =	shalt  }
0x46: {  	_ =	shalt  }
0x47: {  	_ =	shalt  }
0x48: {  	_ =	shalt  }
0x49: {  	_ =	shalt  }
0x4a: {  	_ =	shalt  }
0x4b: {  	_ =	shalt  }
0x4c: {  	_ =	shalt  }
0x4d: {  	_ =	shalt  }
0x4e: {  	_ =	shalt  }
0x4f: {  	_ =	shalt  }
0x50: {  	_ =	shalt  }
0x51: {  	_ =	shalt  }
0x52: {  	_ =	shalt  }
0x53: {  	_ =	shalt  }
0x54: {  	_ =	shalt  }
0x55: {  	_ =	shalt  }
0x56: {  	_ =	shalt  }
0x57: {  	_ =	shalt  }
0x58: {  	_ =	shalt  }
0x59: {  	_ =	shalt  }
0x5a: {  	_ =	shalt  }
0x5b: {  	_ =	shalt  }
0x5c: {  	_ =	shalt  }
0x5d: {  	_ =	shalt  }
0x5e: {  	_ =	shalt  }
0x5f: {  	_ =	shalt  }
0x60: {  	_ =	shalt  }
0x61: {  	_ =	shalt  }
0x62: {  	_ =	shalt  }
0x63: {  	_ =	shalt  }
0x64: {  	_ =	shalt  }
0x65: {  	_ =	shalt  }
0x66: {  	_ =	shalt  }
0x67: {  	_ =	shalt  }
0x68: {  	_ =	shalt  }
0x69: {  	_ =	shalt  }
0x6a: {  	_ =	shalt  }
0x6b: {  	_ =	shalt  }
0x6c: {  	_ =	shalt  }
0x6d: {  	_ =	shalt  }
0x6e: {  	_ =	shalt  }
0x6f: {  	_ =	shalt  }
0x70: {  	_ =	shalt  }
0x71: {  	_ =	shalt  }
0x72: {  	_ =	shalt  }
0x73: {  	_ =	shalt  }
0x74: {  	_ =	shalt  }
0x75: {  	_ =	shalt  }
0x76: {  	_ =	shalt  }
0x77: {  	_ =	shalt  }
0x78: {  	_ =	shalt  }
0x79: {  	_ =	shalt  }
0x7a: {  	_ =	shalt  }
0x7b: {  	_ =	shalt  }
0x7c: {  	_ =	shalt  }
0x7d: {  	_ =	shalt  }
0x7e: {  	_ =	shalt  }
0x7f: {  	_ =	shalt  }
0x80: {  	_ =	shalt  }
0x81: {  	_ =	shalt  }
0x82: {  	_ =	shalt  }
0x83: {  	_ =	shalt  }
0x84: {  	_ =	shalt  }
0x85: {  	_ =	shalt  }
0x86: {  	_ =	shalt  }
0x87: {  	_ =	shalt  }
.Lfunc_end0:
.L_simem_size_0:
called_computation_lowered:
.L_overlay_start_0:
0x88: {  	s2 =	sld [smem:$0x3FD9]  }
0x89: {  	s3 =	sld [smem:$0x3FFE];
	_ =	sdelay $0x1  }
0x8a: {  	s1 =	srdreg.scid  }
0x8b: {  	s0 =	sand.u32 $0x1, s1  }
0x8c: {  	s17 =	sshll.u32 s0, $0xA;
	s2 =	sadd.s32 s3, s2  }
0x8d: {  	s2 =	sadd.s32 s2, s17  }
0x8e: {  	[smem:$0x3FC5] =	sst s2  }
0x8f: {  	_ = 	snop  }
0x90: {  	s2 =	sld [smem:$0x3FC9]  }
0x91: {  	s18 =	sld [smem:$0x3FC8]  }
0x92: {  	s4 =	sld [smem:$0x3FD0];
	(tm) =	ssettm $0x1  }
0x93: {  	s5 =	sld [smem:$0x3FFB];
	_ =	sdelay $0x3  }
0x94: {  	_ =	strace s5  }
0x95: {  	s5 =	sld [smem:$0x3FFC];
	_ =	sdelay $0x3  }
0x96: {  	_ =	strace s5  }
0x97: {  	s5 =	sld [smem:$0x3FFD];
	_ =	sdelay $0x3  }
0x98: {  	_ =	strace s5  }
0x99: {  	_ =	strace $0x8FFFFFFF  }
0x9a: {  	s19 =	sld [smem:$0x3FDB];
	_ =	sdelay $0x1  }
0x9b: {  	s6 =	simm.s32 $_scs_section_size  }
0x9c: {  	s7 =	simm.s32 $_size__tile_overlayer_lowered;
	s8 =	simm.s32 $_tile_overlayer_lowered  }
0x9d: {  	s22 =	simm.s32 $0x1BFF;
	s21 =	sshll.u32 s8, $0x1;
	s5 =	sadd.s32 s6, s19  }
0x9e: {  	s9 =	simm.s32 $0x0;
	s20 =	sshll.u32 s7, $0x1;
	s7 =	sadd.s32 s21, s5  }
0x9f: {  	[timem:s9], [sflag:s22] =	dma.local [hbm:s7], s20  }
0xa0: {  	_ =	swait.ge [sflag:s22], s20  }
0xa1: {  	s6 =	ssub.s32 $0x0, s20;
	[sflag:s22] =	ssyncset.done $0x0  }
0xa2: {  	[sflag:s22] =	ssyncadd.s32 s6;
	_ =	sdelay $0x1  }
0xa3: {  	s23 =	simm.s32 $0x1B8B  }
0xa4: {  	_ =	swait.ge [sflag:s23], $0x1  }
0xa5: {  	[sflag:s23] =	ssyncset.done $0x0  }
0xa6: {  	s25 =	simm.s32 $0x1B8E;
	s24 =	sld [smem:$0x3FFE];
	[sflag:s23] =	ssyncadd.s32 $0xFFFFFFFF  }
0xa7: {  	s26 =	simm.s32 $execute0_lowered;
	[smem:$0x3FD2] =	sst s25  }
0xa8: {  	s7 =	sshll.u32 s26, $0x1;
	_ =	strace $0x80000046;
	[dreg:$0x1] =	wrdreg $0xFFFFFFFF  }
0xa9: {  	s28 =	simm.s32 $_size_execute0_lowered;
	s5 =	sadd.s32 s5, s7;
	[dreg:$0x0] =	wrdreg $0x0  }
0xaa: {  	s7 =	sshll.u32 s28, $0x1;
	[dreg:$0x2] =	wrdreg s5  }
0xab: {  	[dreg:$0x3] =	wrdreg s7  }
0xac: {  	[dreg:$0x4] =	wrdreg $0xC0  }
0xad: {  	_ =	task [dreg:s9], $0x5FFFF  }
0xae: {  	[dreg:$0x1] =	wrdreg $0xFFFFFFFF  }
0xaf: {  	[dreg:$0x0] =	wrdreg $0x60  }
0xb0: {  	[dreg:$0x2] =	wrdreg s2  }
0xb1: {  	[dreg:$0x3] =	wrdreg s18  }
0xb2: {  	[dreg:$0x4] =	wrdreg s24  }
0xb3: {  	[dreg:$0x5] =	wrdreg s4  }
0xb4: {  	[dreg:$0x6] =	wrdreg $0x54000  }
0xb5: {  	[dreg:$0x7] =	wrdreg $0x9  }
0xb6: {  	_ =	task.clear_ibuf [dreg:s9], $0x8FFFF;
	_ =	strace $0x90000046  }
0xb7: {  	s29 =	simm.s32 $0x9;
	_ =	strace $0x80000048  }
0xb8: {  	_ =	swait.ge [sflag:s29], $0x1  }
0xb9: {  	[sflag:s29] =	ssyncadd.s32 $0xFFFFFFFF  }
0xba: {  	_ =	strace $0x90000048  }
0xbb: {  	_ =	sfence  }
0xbc: {  	s30 =	sld [smem:$0x0];
	_ =	sdelay $0x2  }
0xbd: {  	s31 =	sshll.u32 s1, $0xD;
	s1 =	sshrl.u32 s1, $0x2  }
0xbe: {  	s3 =	sand.u32 $0x4000, s31;
	s1 =	sadd.s32 s1, s30  }
0xbf: {  	s0 =	sor.u32 s3, s0;
	s1 =	sshll.u32 s1, $0x11  }
0xc0: {  	s0 =	sor.u32 s1, s0  }
0xc1: {  	s0 =	sadd.s32 $0x8F2B, s0  }
0xc2: {  	[sflag:s0] =	ssyncadd.remote.s32 $0x1  }
0xc3: {  	_ =	sfence.sel $0xFFFF  }
0xc4: {  	[dreg:$0x0] =	wrdreg $0xFFFFFFFF;
	(pc) =	sbr.abs _section_cstart, $3  }
0xc5: {  	[dreg:$0x1] =	wrdreg $0xFFFFFFFF  }
0xc6: {  	_ =	task.clear_ibuf [dreg:s9], $0x2FFFF;
	_ =	strace $0x9FFFFFFF  }
0xc7: {  	(tm) =	ssettm $0x7FFFFFFF  }
tec
execute0_lowered:
.L_overlay_start_1:
0x0: {  	(tag) =	ssettag $0x1  }
0x1: {  	s1 =	rddreg [dreg:$0x0]  }
0x2: {  	s0 =	rddreg [dreg:$0x1]  }
0x3: {  	s4 =	rddreg [dreg:$0x2]  }
0x4: {  	s7 =	rddreg [dreg:$0x3]  }
0x5: {  	s2 =	rddreg [dreg:$0x4];
	s3 =	simm.s32 $0x0;
	s6 =	srdreg.scid  }
0x6: {  	s12 =	stileid.u32;
	s28 =	simm.s32 $0x180;
	s29 =	simm.s32 $0x200  }
0x7: {  	s30 =	simm.s32 $0x280;
	s31 =	simm.s32 $0x300;
	s9 =	smul.u32 $0x4E000, s12  }
0x8: {  	[smem:$0x7FF] =	sst s3;
	s5 =	sadd.s32 $0x400, s4;
	s11 =	smul.u32 $0x13800, s12  }
0x9: {  	s26 =	sand.u32 $0x1, s6;
	s24 =	smul.u32 $0x3E80, s12;
	p0 =	sne.s32 s12, $0xF  }
0xa: {  	s15 =	sshll.u32 s12, $0x6;
	_ =	strace $0x80000047;
	s20 =	smul.u32 $0x138800, s26  }
0xb: {  	s6 =	ssub.s32 $0x2, s26;
	s8 =	sshll.u32 s26, $0x4;
	s4 =	smul.u32 $0x3E800, s26  }
0xc: {  	s10 =	sshrl.u32 s6, $0x1;
	s8 =	sor.u32 s12, s8;
	s9 =	sshrl.u32 s9, $0x2  }
0xd: {  	s14 =	sshrl.u32 s11, $0x3;
	s10 =	ssub.s32 s6, s10;
	s6 =	smul.u32 $0x3E80, s8  }
0xe: {  	s13 =	sadd.s32 s9, s2;
	s8 =	sadd.s32 s0, s14;
	s9 =	sor.u32 $0x1C07, s15  }
0xf: {  	s0 =	sadd.s32 $0x27000, s0;
	s11 =	sadd.s32 s11, s20;
	s4 =	sadd.s32 s24, s4  }
0x10: {  	s24 =	simm.s32 $0x7;
	s14 =	simm.s32 $0x6;
	[dreg:$0x7] =	wrdreg s13  }
0x11: {  	s15 =	simm.s32 $0x4;
	[dreg:$0x8] =	wrdreg s8;
	s13 =	sadd.s32 $0x138000, s2  }
0x12: {  	[dreg:$0xa] =	wrdreg s0;
	s0 =	sshrl.u32 s20, $0x3;
	s11 =	sshrl.u32 s11, $0x3  }
0x13: {  	s25 =	sadd.s32 $0x7D200, s4;
	s26 =	smax.u32 s10, $0x1;
	[dreg:$0x9] =	wrdreg s13  }
0x14: {  	s4 =	sadd.s32 $0x200, s4;
	s16 =	sshrl.u32 s6, $0x3;
	[dreg:$0x15] =	wrdreg s26  }
0x15: {  	s0 =	sadd.s32 s7, s0;
	s7 =	sadd.s32 s7, s11;
	[dreg:$0x6] =	wrdreg s4  }
0x16: {  	s10 =	simm.s32 $0x2C00;
	s17 =	sadd.s32 s5, s16;
	[dreg:$0x13] =	wrdreg s7  }
0x17: {  	s26 =	simm.s32 $0x100;
	s0 =	sadd.s32 $0x27000, s0;
	[dreg:$0xb] =	wrdreg s17  }
0x18: {  	s4 =	simm.s32 $0x50;
	s18 =	sadd.s32 $0xFA00, s17;
	[dreg:$0x14] =	wrdreg s0  }
0x19: {  	s11 =	simm.s32 $0x5;
	s19 =	sadd.s32 $0x10, s17;
	[dreg:$0xc] =	wrdreg s18  }
0x1a: {  	s7 =	simm.s32 $0x400;
	s8 =	sadd.s32 $0xFA10, s17;
	[dreg:$0xd] =	wrdreg s19  }
0x1b: {  	s16 =	simm.s32 $0x380;
	s21 =	sadd.s32 $0x20, s17;
	[dreg:$0xe] =	wrdreg s8  }
0x1c: {  	s22 =	sadd.s32 $0xFA20, s17;
	s23 =	sadd.s32 $0x30, s17;
	[dreg:$0xf] =	wrdreg s21  }
0x1d: {  	s13 =	sadd.s32 $0xFA30, s17;
	s0 =	sshrl.u32 s25, $0x3;
	[dreg:$0x10] =	wrdreg s22  }
0x1e: {  	s25 =	simm.s32 $0x80;
	s17 =	simm.s32 $0x0;
	[dreg:$0x11] =	wrdreg s23  }
0x1f: {  	[dreg:$0x12] =	wrdreg s13;
	s0 =	sadd.s32 s0, s5;
	s8 =	simm.s32 $0x2  }
0x20: {  	s13 =	simm.s32 $0x3;
	[dreg:$0x16] =	wrdreg s0;
	s0 =	simm.s32 $0x1  }
.LBB2_1:
0x21: {  	s12 =	rddreg [dreg:$0x7]  }
0x22: {  	s21 =	rddreg [dreg:$0x8];
	s18 =	sshrl.u32 s12, $0x3  }
0x23: {  	[spmem:s18], [sflag:s9] =	dma.local [hbm:s21], $0x2700  }
0x24: {  	_ =	swait.ge [sflag:s24], $0x2700  }
0x25: {  	s20 =	simm.s32 @!p0 $0x7;
	[sflag:s24] =	ssyncset.done $0x0;
	s12 =	rddreg [dreg:$0x9]  }
0x26: {  	[sflag:s24] =	ssyncadd.s32 $0xFFFFD900;
	s19 =	sshrl.u32 @!p0 s12, $0x3;
	s12 =	rddreg [dreg:$0xa]  }
0x27: {  	[spmem:s19], [sflag:s9] =	dma.local @!p0 [hbm:s12], $0x100  }
0x28: {  	_ =	swait.ge @!p0 [sflag:s20], $0x100  }
0x29: {  	[sflag:s20] =	ssyncset.done @!p0 $0x0  }
0x2a: {  	[sflag:s20] =	ssyncadd.s32 @!p0 $0xFFFFFF00  }
0x2b: {  	[bflag:$0x0] =	sbarrier.arrive $0xFFFF  }
0x2c: {  	s22 =	rddreg [dreg:$0xb]  }
0x2d: {  	[tilespmem:s3], [sflag:$0x1] =	stream.linear.gather [hbm4b:s22+s3], $0x80, $0x38;
	[tilespmem:$0x18C80] =	vst v63  }
0x2e: {  	s23 =	rddreg [dreg:$0xc]  }
0x2f: {  	[tilespmem:s25], [sflag:$0x1] =	stream.linear.gather [hbm4b:s23+s3], $0x80, $0x38;
	[tilespmem:$0x18C80] =	vst v63  }
0x30: {  	s20 =	rddreg [dreg:$0xd]  }
0x31: {  	[tilespmem:s26], [sflag:$0x2] =	stream.linear.gather [hbm4b:s20+s3], $0x80, $0x38;
	[tilespmem:$0x18C80] =	vst v63  }
0x32: {  	s21 =	rddreg [dreg:$0xe]  }
0x33: {  	[tilespmem:s28], [sflag:$0x2] =	stream.linear.gather [hbm4b:s21+s3], $0x80, $0x38;
	[tilespmem:$0x18C80] =	vst v63  }
0x34: {  	s22 =	rddreg [dreg:$0xf]  }
0x35: {  	[tilespmem:s29], [sflag:$0x3] =	stream.linear.gather [hbm4b:s22+s3], $0x80, $0x38;
	[tilespmem:$0x18C80] =	vst v63  }
0x36: {  	s23 =	rddreg [dreg:$0x10]  }
0x37: {  	[tilespmem:s30], [sflag:$0x3] =	stream.linear.gather [hbm4b:s23+s3], $0x80, $0x38;
	[tilespmem:$0x18C80] =	vst v63  }
0x38: {  	s20 =	rddreg [dreg:$0x11]  }
0x39: {  	[tilespmem:s31], [sflag:$0x4] =	stream.linear.gather [hbm4b:s20+s3], $0x80, $0x38;
	[tilespmem:$0x18C80] =	vst v63  }
0x3a: {  	s21 =	rddreg [dreg:$0x12]  }
0x3b: {  	[tilespmem:s16], [sflag:$0x4] =	stream.linear.gather [hbm4b:s21+s3], $0x80, $0x38;
	[tilespmem:$0x18C80] =	vst v63  }
0x3c: {  	_ =	swait.ge [sflag:s0], $0x80  }
0x3d: {  	[sflag:s0] =	ssyncset.done $0x0  }
0x3e: {  	[sflag:s0] =	ssyncadd.s32 $0xFFFFFF80  }
0x3f: {  	_ =	swait.ge [sflag:s0], $0x80  }
0x40: {  	[sflag:s0] =	ssyncset.done $0x0  }
0x41: {  	[sflag:s0] =	ssyncadd.s32 $0xFFFFFF80  }
0x42: {  	[tilespmem:s7], [sflag:$0x5] =	stream.indirect.gather [hbm4b:s1+s4], $0x80, s3, s4, $0xb8;
	[tilespmem:$0x18C80] =	vst v63  }
0x43: {  	_ =	swait.ge [sflag:s8], $0x80  }
0x44: {  	[sflag:s8] =	ssyncset.done $0x0  }
0x45: {  	[sflag:s8] =	ssyncadd.s32 $0xFFFFFF80  }
0x46: {  	_ =	swait.ge [sflag:s8], $0x80  }
0x47: {  	[sflag:s8] =	ssyncset.done $0x0  }
0x48: {  	[sflag:s8] =	ssyncadd.s32 $0xFFFFFF80  }
0x49: {  	[tilespmem:s10], [sflag:$0x6] =	stream.indirect.gather [hbm4b:s1+s4], $0x80, s26, s4, $0xb8;
	[tilespmem:$0x18C80] =	vst v63  }
0x4a: {  	_ =	swait.ge [sflag:s11], $0x2800  }
0x4b: {  	[sflag:s11] =	ssyncset.done $0x0  }
0x4c: {  	[sflag:s11] =	ssyncadd.s32 $0xFFFFD800  }
0x4d: {  	[spmem:s2] =	stream.indirect.scatter.add.f32 [tilespmem:s7], [sflag:$0x7], $0x80, s25, s4, $0xb8;
	[tilespmem:$0x18C80] =	vst v63  }
0x4e: {  	_ =	swait.ge [sflag:s24], $0x2800  }
0x4f: {  	s22 =	rddreg [dreg:$0x6]  }
0x50: {  	s20 =	sadd.s32 $0x380, s22  }
0x51: {  	s20 =	sadd.s32 $0xFFFFFC80, s20  }
0x52: {  	[sflag:s24] =	ssyncset.done $0x0;
	s20 =	sshrl.u32 s20, $0x3  }
0x53: {  	[sflag:s24] =	ssyncadd.s32 $0xFFFFD800;
	s20 =	sadd.s32 s5, s20  }
0x54: {  	[tilespmem:s3], [sflag:$0x1] =	stream.linear.gather [hbm4b:s20+s3], $0x80, $0x38;
	[tilespmem:$0x18C80] =	vst v63  }
0x55: {  	s23 =	rddreg [dreg:$0x16]  }
0x56: {  	[tilespmem:s25], [sflag:$0x1] =	stream.linear.gather [hbm4b:s23+s3], $0x80, $0x38;
	[tilespmem:$0x18C80] =	vst v63  }
0x57: {  	_ =	swait.ge [sflag:s13], $0x80  }
0x58: {  	[sflag:s13] =	ssyncset.done $0x0  }
0x59: {  	[sflag:s13] =	ssyncadd.s32 $0xFFFFFF80  }
0x5a: {  	_ =	swait.ge [sflag:s13], $0x80  }
0x5b: {  	[sflag:s13] =	ssyncset.done $0x0  }
0x5c: {  	[sflag:s13] =	ssyncadd.s32 $0xFFFFFF80  }
0x5d: {  	[tilespmem:s7], [sflag:$0x5] =	stream.indirect.gather [hbm4b:s1+s4], $0x80, s29, s4, $0xb8;
	[tilespmem:$0x18C80] =	vst v63  }
0x5e: {  	_ =	swait.ge [sflag:s14], $0x2800  }
0x5f: {  	p1 =	por $0x0, $0x0;
	s20 =	simm.s32 $0x280;
	[sflag:s14] =	ssyncset.done $0x0  }
0x60: {  	s20 =	simm.s32 @p1 $0x0;
	[sflag:s14] =	ssyncadd.s32 $0xFFFFD800  }
0x61: {  	[spmem:s2] =	stream.indirect.scatter.add.f32 [tilespmem:s10], [sflag:$0x7], $0x80, s28, s4, $0xb8;
	[tilespmem:$0x18C80] =	vst v63  }
0x62: {  	s20 =	sadd.s32 s6, s20;
	_ =	swait.ge [sflag:s24], $0x2800  }
0x63: {  	s20 =	sshrl.u32 s20, $0x3;
	[sflag:s24] =	ssyncset.done $0x0  }
0x64: {  	s20 =	sadd.s32 s5, s20;
	[sflag:s24] =	ssyncadd.s32 $0xFFFFD800  }
0x65: {  	[tilespmem:s26], [sflag:$0x2] =	stream.linear.gather [hbm4b:s20+s3], $0x80, $0x38;
	[tilespmem:$0x18C80] =	vst v63  }
0x66: {  	s20 =	sadd.s32 $0xFA00, s20  }
0x67: {  	[tilespmem:s28], [sflag:$0x2] =	stream.linear.gather [hbm4b:s20+s3], $0x80, $0x38;
	[tilespmem:$0x18C80] =	vst v63  }
0x68: {  	_ =	swait.ge [sflag:s15], $0x80  }
0x69: {  	[sflag:s15] =	ssyncset.done $0x0  }
0x6a: {  	[sflag:s15] =	ssyncadd.s32 $0xFFFFFF80  }
0x6b: {  	_ =	swait.ge [sflag:s15], $0x80  }
0x6c: {  	[sflag:s15] =	ssyncset.done $0x0  }
0x6d: {  	[sflag:s15] =	ssyncadd.s32 $0xFFFFFF80  }
0x6e: {  	[tilespmem:s10], [sflag:$0x6] =	stream.indirect.gather [hbm4b:s1+s4], $0x80, s31, s4, $0xb8;
	[tilespmem:$0x18C80] =	vst v63  }
0x6f: {  	_ =	swait.ge [sflag:s11], $0x2800  }
0x70: {  	s20 =	simm.s32 $0x300;
	[sflag:s11] =	ssyncset.done $0x0  }
0x71: {  	s20 =	simm.s32 @p1 $0x80;
	[sflag:s11] =	ssyncadd.s32 $0xFFFFD800  }
0x72: {  	[spmem:s2] =	stream.indirect.scatter.add.f32 [tilespmem:s7], [sflag:$0x7], $0x80, s30, s4, $0xb8;
	[tilespmem:$0x18C80] =	vst v63  }
0x73: {  	s20 =	sadd.s32 s6, s20;
	_ =	swait.ge [sflag:s24], $0x2800  }
0x74: {  	s20 =	sshrl.u32 s20, $0x3;
	[sflag:s24] =	ssyncset.done $0x0  }
0x75: {  	s20 =	sadd.s32 s5, s20;
	[sflag:s24] =	ssyncadd.s32 $0xFFFFD800  }
0x76: {  	[tilespmem:s29], [sflag:$0x3] =	stream.linear.gather [hbm4b:s20+s3], $0x80, $0x38;
	[tilespmem:$0x18C80] =	vst v63  }
0x77: {  	s20 =	sadd.s32 $0xFA00, s20  }
0x78: {  	[tilespmem:s30], [sflag:$0x3] =	stream.linear.gather [hbm4b:s20+s3], $0x80, $0x38;
	[tilespmem:$0x18C80] =	vst v63  }
0x79: {  	_ =	swait.ge [sflag:s0], $0x80  }
0x7a: {  	[sflag:s0] =	ssyncset.done $0x0  }
0x7b: {  	[sflag:s0] =	ssyncadd.s32 $0xFFFFFF80  }
0x7c: {  	_ =	swait.ge [sflag:s0], $0x80  }
0x7d: {  	[sflag:s0] =	ssyncset.done $0x0  }
0x7e: {  	[sflag:s0] =	ssyncadd.s32 $0xFFFFFF80  }
0x7f: {  	[tilespmem:s7], [sflag:$0x5] =	stream.indirect.gather [hbm4b:s1+s4], $0x80, s3, s4, $0xb8;
	[tilespmem:$0x18C80] =	vst v63  }
0x80: {  	_ =	swait.ge [sflag:s14], $0x2800  }
0x81: {  	s20 =	simm.s32 $0x380;
	[sflag:s14] =	ssyncset.done $0x0  }
0x82: {  	s20 =	simm.s32 @p1 $0x100;
	[sflag:s14] =	ssyncadd.s32 $0xFFFFD800  }
0x83: {  	[spmem:s2] =	stream.indirect.scatter.add.f32 [tilespmem:s10], [sflag:$0x7], $0x80, s16, s4, $0xb8;
	[tilespmem:$0x18C80] =	vst v63  }
0x84: {  	s20 =	sadd.s32 s6, s20;
	_ =	swait.ge [sflag:s24], $0x2800  }
0x85: {  	s20 =	sshrl.u32 s20, $0x3;
	[sflag:s24] =	ssyncset.done $0x0  }
0x86: {  	s20 =	sadd.s32 s5, s20;
	[sflag:s24] =	ssyncadd.s32 $0xFFFFD800  }
0x87: {  	[tilespmem:s31], [sflag:$0x4] =	stream.linear.gather [hbm4b:s20+s3], $0x80, $0x38;
	[tilespmem:$0x18C80] =	vst v63  }
0x88: {  	s20 =	sadd.s32 $0xFA00, s20  }
0x89: {  	[tilespmem:s16], [sflag:$0x4] =	stream.linear.gather [hbm4b:s20+s3], $0x80, $0x38;
	[tilespmem:$0x18C80] =	vst v63  }
0x8a: {  	_ =	swait.ge [sflag:s8], $0x80  }
0x8b: {  	[sflag:s8] =	ssyncset.done $0x0  }
0x8c: {  	[sflag:s8] =	ssyncadd.s32 $0xFFFFFF80  }
0x8d: {  	_ =	swait.ge [sflag:s8], $0x80  }
0x8e: {  	s21 =	sadd.s32 $0x40, s23;
	s20 =	simm.s32 $0x580;
	[sflag:s8] =	ssyncset.done $0x0  }
.LBB2_2:
0x8f: {  	[sflag:s8] =	ssyncadd.s32 $0xFFFFFF80  }
0x90: {  	[tilespmem:s10], [sflag:$0x6] =	stream.indirect.gather [hbm4b:s1+s4], $0x80, s26, s4, $0xb8;
	[tilespmem:$0x18C80] =	vst v63  }
0x91: {  	_ =	swait.ge [sflag:s11], $0x2800  }
0x92: {  	[sflag:s11] =	ssyncset.done $0x0  }
0x93: {  	[sflag:s11] =	ssyncadd.s32 $0xFFFFD800  }
0x94: {  	[spmem:s2] =	stream.indirect.scatter.add.f32 [tilespmem:s7], [sflag:$0x7], $0x80, s25, s4, $0xb8;
	[tilespmem:$0x18C80] =	vst v63  }
0x95: {  	_ =	swait.ge [sflag:s24], $0x2800  }
0x96: {  	s22 =	smov.u32 s20;
	s12 =	rddreg [dreg:$0x6]  }
0x97: {  	s12 =	sadd.s32 s22, s12  }
0x98: {  	s12 =	sadd.s32 $0xFFFFFC80, s12  }
0x99: {  	[sflag:s24] =	ssyncset.done $0x0;
	s12 =	sshrl.u32 s12, $0x3  }
0x9a: {  	[sflag:s24] =	ssyncadd.s32 $0xFFFFD800;
	s12 =	sadd.s32 s5, s12  }
0x9b: {  	[tilespmem:s3], [sflag:$0x1] =	stream.linear.gather [hbm4b:s12+s3], $0x80, $0x38;
	[tilespmem:$0x18C80] =	vst v63  }
0x9c: {  	_ = 	snop  }
0x9d: {  	[tilespmem:s25], [sflag:$0x1] =	stream.linear.gather [hbm4b:s21+s3], $0x80, $0x38;
	[tilespmem:$0x18C80] =	vst v63  }
0x9e: {  	_ =	swait.ge [sflag:s13], $0x80  }
0x9f: {  	[sflag:s13] =	ssyncset.done $0x0  }
0xa0: {  	[sflag:s13] =	ssyncadd.s32 $0xFFFFFF80  }
0xa1: {  	_ =	swait.ge [sflag:s13], $0x80  }
0xa2: {  	[sflag:s13] =	ssyncset.done $0x0  }
0xa3: {  	[sflag:s13] =	ssyncadd.s32 $0xFFFFFF80  }
0xa4: {  	[tilespmem:s7], [sflag:$0x5] =	stream.indirect.gather [hbm4b:s1+s4], $0x80, s29, s4, $0xb8;
	[tilespmem:$0x18C80] =	vst v63  }
0xa5: {  	_ =	swait.ge [sflag:s14], $0x2800  }
0xa6: {  	p2 =	seq.s32 s22, $0x3F80;
	s23 =	sadd.s32 $0xFFFFFF00, s22;
	[sflag:s14] =	ssyncset.done $0x0  }
0xa7: {  	s23 =	simm.s32 @p2 $0x0;
	[sflag:s14] =	ssyncadd.s32 $0xFFFFD800  }
0xa8: {  	[spmem:s2] =	stream.indirect.scatter.add.f32 [tilespmem:s10], [sflag:$0x7], $0x80, s28, s4, $0xb8;
	[tilespmem:$0x18C80] =	vst v63  }
0xa9: {  	s23 =	sadd.s32 s6, s23;
	_ =	swait.ge [sflag:s24], $0x2800  }
0xaa: {  	s23 =	sshrl.u32 s23, $0x3;
	[sflag:s24] =	ssyncset.done $0x0  }
0xab: {  	s23 =	sadd.s32 s5, s23;
	[sflag:s24] =	ssyncadd.s32 $0xFFFFD800  }
0xac: {  	[tilespmem:s26], [sflag:$0x2] =	stream.linear.gather [hbm4b:s23+s3], $0x80, $0x38;
	[tilespmem:$0x18C80] =	vst v63  }
0xad: {  	s23 =	sadd.s32 $0xFA00, s23  }
0xae: {  	[tilespmem:s28], [sflag:$0x2] =	stream.linear.gather [hbm4b:s23+s3], $0x80, $0x38;
	[tilespmem:$0x18C80] =	vst v63  }
0xaf: {  	_ =	swait.ge [sflag:s15], $0x80  }
0xb0: {  	[sflag:s15] =	ssyncset.done $0x0  }
0xb1: {  	[sflag:s15] =	ssyncadd.s32 $0xFFFFFF80  }
0xb2: {  	_ =	swait.ge [sflag:s15], $0x80  }
0xb3: {  	[sflag:s15] =	ssyncset.done $0x0  }
0xb4: {  	[sflag:s15] =	ssyncadd.s32 $0xFFFFFF80  }
0xb5: {  	[tilespmem:s10], [sflag:$0x6] =	stream.indirect.gather [hbm4b:s1+s4], $0x80, s31, s4, $0xb8;
	[tilespmem:$0x18C80] =	vst v63  }
0xb6: {  	_ =	swait.ge [sflag:s11], $0x2800  }
0xb7: {  	s12 =	sadd.s32 $0xFFFFFF80, s22;
	[sflag:s11] =	ssyncset.done $0x0  }
0xb8: {  	s12 =	simm.s32 @p2 $0x80;
	[sflag:s11] =	ssyncadd.s32 $0xFFFFD800  }
0xb9: {  	[spmem:s2] =	stream.indirect.scatter.add.f32 [tilespmem:s7], [sflag:$0x7], $0x80, s30, s4, $0xb8;
	[tilespmem:$0x18C80] =	vst v63  }
0xba: {  	s12 =	sadd.s32 s6, s12;
	_ =	swait.ge [sflag:s24], $0x2800  }
0xbb: {  	s12 =	sshrl.u32 s12, $0x3;
	[sflag:s24] =	ssyncset.done $0x0  }
0xbc: {  	s12 =	sadd.s32 s5, s12;
	[sflag:s24] =	ssyncadd.s32 $0xFFFFD800  }
0xbd: {  	[tilespmem:s29], [sflag:$0x3] =	stream.linear.gather [hbm4b:s12+s3], $0x80, $0x38;
	[tilespmem:$0x18C80] =	vst v63  }
0xbe: {  	s12 =	sadd.s32 $0xFA00, s12  }
0xbf: {  	[tilespmem:s30], [sflag:$0x3] =	stream.linear.gather [hbm4b:s12+s3], $0x80, $0x38;
	[tilespmem:$0x18C80] =	vst v63  }
0xc0: {  	_ =	swait.ge [sflag:s0], $0x80  }
0xc1: {  	[sflag:s0] =	ssyncset.done $0x0  }
0xc2: {  	[sflag:s0] =	ssyncadd.s32 $0xFFFFFF80  }
0xc3: {  	_ =	swait.ge [sflag:s0], $0x80  }
0xc4: {  	[sflag:s0] =	ssyncset.done $0x0  }
0xc5: {  	[sflag:s0] =	ssyncadd.s32 $0xFFFFFF80  }
0xc6: {  	[tilespmem:s7], [sflag:$0x5] =	stream.indirect.gather [hbm4b:s1+s4], $0x80, s3, s4, $0xb8;
	[tilespmem:$0x18C80] =	vst v63  }
0xc7: {  	_ =	swait.ge [sflag:s14], $0x2800  }
0xc8: {  	[sflag:s14] =	ssyncset.done $0x0  }
0xc9: {  	s22 =	simm.s32 @p2 $0x100;
	[sflag:s14] =	ssyncadd.s32 $0xFFFFD800  }
0xca: {  	[spmem:s2] =	stream.indirect.scatter.add.f32 [tilespmem:s10], [sflag:$0x7], $0x80, s16, s4, $0xb8;
	[tilespmem:$0x18C80] =	vst v63  }
0xcb: {  	s22 =	sadd.s32 s6, s22;
	_ =	swait.ge [sflag:s24], $0x2800  }
0xcc: {  	s22 =	sshrl.u32 s22, $0x3;
	[sflag:s24] =	ssyncset.done $0x0  }
0xcd: {  	s23 =	sadd.s32 s5, s22;
	[sflag:s24] =	ssyncadd.s32 $0xFFFFD800  }
0xce: {  	[tilespmem:s31], [sflag:$0x4] =	stream.linear.gather [hbm4b:s23+s3], $0x80, $0x38;
	[tilespmem:$0x18C80] =	vst v63  }
0xcf: {  	p1 =	sne.s32 s20, $0x3F80;
	s22 =	sadd.s32 $0xFA00, s23  }
0xd0: {  	[tilespmem:s16], [sflag:$0x4] =	stream.linear.gather [hbm4b:s22+s3], $0x80, $0x38;
	[tilespmem:$0x18C80] =	vst v63  }
.Ltmp0:
0xd1: {  	_ =	swait.ge [sflag:s8], $0x80;
	(pc) =	sbr.rel @p1 .LBB2_2-.Ltmp0, $4  }
0xd2: {  	[sflag:s8] =	ssyncset.done $0x0  }
0xd3: {  	[sflag:s8] =	ssyncadd.s32 $0xFFFFFF80  }
0xd4: {  	_ =	swait.ge [sflag:s8], $0x80  }
0xd5: {  	s20 =	sadd.s32 $0x200, s20;
	s21 =	sadd.s32 $0x40, s21;
	[sflag:s8] =	ssyncset.done $0x0  }
0xd6: {  	[sflag:s8] =	ssyncadd.s32 $0xFFFFFF80  }
0xd7: {  	[tilespmem:s10], [sflag:$0x6] =	stream.indirect.gather [hbm4b:s1+s4], $0x80, s26, s4, $0xb8;
	[tilespmem:$0x18C80] =	vst v63  }
0xd8: {  	_ =	swait.ge [sflag:s11], $0x2800  }
0xd9: {  	[sflag:s11] =	ssyncset.done $0x0  }
0xda: {  	[sflag:s11] =	ssyncadd.s32 $0xFFFFD800  }
0xdb: {  	[spmem:s2] =	stream.indirect.scatter.add.f32 [tilespmem:s7], [sflag:$0x7], $0x80, s25, s4, $0xb8;
	[tilespmem:$0x18C80] =	vst v63  }
0xdc: {  	_ =	swait.ge [sflag:s24], $0x2800  }
0xdd: {  	[sflag:s24] =	ssyncset.done $0x0  }
0xde: {  	[sflag:s24] =	ssyncadd.s32 $0xFFFFD800  }
0xdf: {  	_ =	swait.ge [sflag:s13], $0x80  }
0xe0: {  	[sflag:s13] =	ssyncset.done $0x0  }
0xe1: {  	[sflag:s13] =	ssyncadd.s32 $0xFFFFFF80  }
0xe2: {  	_ =	swait.ge [sflag:s13], $0x80  }
0xe3: {  	[sflag:s13] =	ssyncset.done $0x0  }
0xe4: {  	[sflag:s13] =	ssyncadd.s32 $0xFFFFFF80  }
0xe5: {  	_ =	swait.ge [sflag:s15], $0x80  }
0xe6: {  	[sflag:s15] =	ssyncset.done $0x0  }
0xe7: {  	[sflag:s15] =	ssyncadd.s32 $0xFFFFFF80  }
0xe8: {  	_ =	swait.ge [sflag:s15], $0x80  }
0xe9: {  	[sflag:s15] =	ssyncset.done $0x0  }
0xea: {  	[sflag:s15] =	ssyncadd.s32 $0xFFFFFF80  }
0xeb: {  	_ =	swait.ge [sflag:s14], $0x2800  }
0xec: {  	[sflag:s14] =	ssyncset.done $0x0  }
0xed: {  	[sflag:s14] =	ssyncadd.s32 $0xFFFFD800  }
0xee: {  	[bflag:$0x0] =	sbarrier.arrive $0xFFFF  }
0xef: {  	s12 =	rddreg [dreg:$0x13]  }
0xf0: {  	[hbm:s12], [sflag:s9] =	dma.local [spmem:s18], $0x2700  }
0xf1: {  	_ =	swait.ge [sflag:s24], $0x2700  }
0xf2: {  	[sflag:s24] =	ssyncset.done $0x0  }
0xf3: {  	s12 =	rddreg [dreg:$0x14];
	[sflag:s24] =	ssyncadd.s32 $0xFFFFD900  }
0xf4: {  	[hbm:s12], [sflag:s9] =	dma.local @!p0 [spmem:s19], $0x100  }
0xf5: {  	s12 =	simm.s32 @!p0 $0x7  }
0xf6: {  	_ =	swait.ge @!p0 [sflag:s12], $0x100  }
0xf7: {  	s17 =	sadd.s32 $0x1, s17;
	s23 =	rddreg [dreg:$0x15]  }
0xf8: {  	p1 =	sne.s32 s17, s23  }
.Ltmp1:
0xf9: {  	_ = 	snop;
	(pc) =	sbr.rel @p1 .LBB2_1-.Ltmp1, $3  }
0xfa: {  	_ =	sdelay $0x1  }
0xfb: {  	[sflag:s12] =	ssyncset.done @!p0 $0x0  }
0xfc: {  	[sflag:s12] =	ssyncadd.s32 @!p0 $0xFFFFFF00  }
0xfd: {  	_ =	sfence.sel $0x180000  }
0xfe: {  	[bflag:$0x0] =	sbarrier.arrive $0xFFFF  }
0xff: {  	_ =	strace $0x90000047  }
0x100: {  	s0 =	stileid.u32;
	[bflag:$0x2] =	sbarrier.arrive $0xFFFF  }
0x101: {  	p0 =	sne.s32 s0, $0x0;
	s0 =	rddreg [dreg:$0x5]  }
0x102: {  	s0 =	sadd.s32 @!p0 $0x100000, s0  }
0x103: {  	[sflag:s0] =	ssyncadd.tile.s32 @!p0 $0x1;
	_ =	shalt  }
.Lfunc_end2:
_tile_overlayer_lowered:
.L_overlay_start_2:
0x104: {  	(tag) =	ssettag $0x2  }
0x105: {  	s0 =	rddreg [dreg:$0x0];
	s2 =	stileid.u32  }
0x106: {  	s1 =	rddreg [dreg:$0x1];
	p0 =	sne.s32 s2, $0x0  }
0x107: {  	s3 =	rddreg [dreg:$0x2];
	[bflag:$0x3] =	sbarrier.arrive $0xFFFF;
	s2 =	simm.s32 @!p0 $0x1C07  }
0x108: {  	[timem:s3], [sflag:s2] =	dma.local @!p0 [hbm:s0], s1  }
0x109: {  	s0 =	simm.s32 @!p0 $0x7  }
0x10a: {  	_ =	swait.ge @!p0 [sflag:s0], s1  }
0x10b: {  	s1 =	ssub.s32 @!p0 $0x0, s1;
	[sflag:s0] =	ssyncset.done @!p0 $0x0  }
0x10c: {  	[sflag:s0] =	ssyncadd.s32 @!p0 s1  }
0x10d: {  	[bflag:$0x3] =	sbarrier.arrive $0xFFFF  }
0x10e: {  	_ =	shalt  }

</sc_bundles>
